<compile_context>
chip_gen: v7x
topology: tpu7x:2x2x1
jax: 0.10.2.dev20260603
libtpu: 0.0.44.dev20260713+nightly
codegen_flags: <defaults>
</compile_context>

<pallas_src>
import functools

import jax
import jax.numpy as jnp
from jax import lax
from jax.experimental import pallas as pl
from jax.experimental.pallas import tpu as pltpu
from jax.experimental.pallas import tpu_sc as plsc

B = 1024
P = B * (B - 1) // 2
NW = 32
CHUNK = P // NW
BUFN = CHUNK + 32
XPAD = 1040
TWO_B_M1 = 2 * B - 1


def _mo8(v):
    return pl.multiple_of(v, 8)


def _pairs_body(x_hbm, x1_hbm, x2_hbm, x_v, o1_v, o2_v, sem_x, sem_o):
    wid = lax.axis_index("s") * 2 + lax.axis_index("c")
    cp_x = pltpu.make_async_copy(x_hbm, x_v.at[pl.ds(0, B)], sem_x)
    cp_x.start()
    cp_x.wait()

    def walk_rows(i0, pos0):
        def rbody(r, pos):
            i = i0 + r
            ln = jnp.int32(B - 1) - i
            n = (ln + 15) >> 4
            n8 = n >> 3
            splat = plsc.load_gather(x_v, [jnp.full((16,), i, jnp.int32)])
            j0 = i + 1

            def g8(t, qj):
                q, jq = qj
                for u in range(8):
                    o1_v[pl.ds(q + u * 16, 16)] = splat
                    o2_v[pl.ds(q + u * 16, 16)] = x_v[pl.ds(jq + u * 16, 16)]
                return (q + 128, jq + 128)

            def g4(t, qj):
                q, jq = qj
                for u in range(4):
                    o1_v[pl.ds(q + u * 16, 16)] = splat
                    o2_v[pl.ds(q + u * 16, 16)] = x_v[pl.ds(jq + u * 16, 16)]
                return (q + 64, jq + 64)

            def g1(t, qj):
                q, jq = qj
                o1_v[pl.ds(q, 16)] = splat
                o2_v[pl.ds(q, 16)] = x_v[pl.ds(jq, 16)]
                return (q + 16, jq + 16)

            qj = lax.fori_loop(0, n8, g8, (pos, j0))
            qj = lax.fori_loop(0, (n >> 2) & 1, g4, qj)
            lax.fori_loop(0, n & 3, g1, qj)
            return pos + ln

        return lax.fori_loop(0, 16, rbody, pos0)

    def dma_block(boff, obase, a):
        c2 = a >> 3
        c1 = a & 7

        def start(src_off, dst_off, sz, out_v, out_hbm):
            pltpu.make_async_copy(
                out_v.at[pl.ds(_mo8(src_off), sz)],
                out_hbm.at[pl.ds(_mo8(dst_off), sz)],
                sem_o,
            ).start()

        def d2(t, c):
            s = t * 2048
            start(boff + s, obase + s, 2048, o1_v, x1_hbm)
            start(boff + s, obase + s, 2048, o2_v, x2_hbm)
            return c

        lax.fori_loop(0, c2, d2, 0)
        s1 = c2 << 11

        def d1(t, c):
            s = s1 + t * 256
            start(boff + s, obase + s, 256, o1_v, x1_hbm)
            start(boff + s, obase + s, 256, o2_v, x2_hbm)
            return c

        lax.fori_loop(0, c1, d1, 0)
        st = a << 8
        start(boff + st, obase + st, 120, o1_v, x1_hbm)
        start(boff + st, obase + st, 120, o2_v, x2_hbm)

    iA0 = 16 * wid
    iB0 = jnp.int32(1008) - 16 * wid
    aA = jnp.int32(63) - wid
    la = 16248 - 256 * wid
    oa = (8 * wid) * (TWO_B_M1 - 16 * wid)
    m = jnp.int32(63) - wid
    ob = (8 * m) * (TWO_B_M1 - 16 * m)

    walk_rows(iA0, 0)
    dma_block(0, oa, aA)
    walk_rows(iB0, la + 16)
    dma_block(la + 16, ob, wid)

    pltpu.make_async_copy(
        x1_hbm.at[pl.ds(0, CHUNK)], o1_v.at[pl.ds(0, CHUNK)], sem_o
    ).wait()
    pltpu.make_async_copy(
        x2_hbm.at[pl.ds(0, CHUNK)], o2_v.at[pl.ds(0, CHUNK)], sem_o
    ).wait()


@functools.cache
def _build():
    return functools.partial(
        pl.kernel,
        out_type=(
            jax.ShapeDtypeStruct((P,), jnp.float32),
            jax.ShapeDtypeStruct((P,), jnp.float32),
        ),
        mesh=plsc.VectorSubcoreMesh(
            core_axis_name="c", subcore_axis_name="s", num_cores=2, num_subcores=16
        ),
        scratch_types=[
            pltpu.VMEM((XPAD,), jnp.float32),
            pltpu.VMEM((BUFN,), jnp.float32),
            pltpu.VMEM((BUFN,), jnp.float32),
            pltpu.SemaphoreType.DMA,
            pltpu.SemaphoreType.DMA,
        ],
        compiler_params=pltpu.CompilerParams(
            needs_layout_passes=False, disable_bounds_checks=True
        ),
    )(_pairs_body)


def kernel(x):
    return _build()(x)

# --- scband reference (transcript-rebuilt; emitter-appended) ---
"""Pipeline reference for scband-pair-generation-25752623906845 (READ-ONLY COPY).

The authoritative reference and input builder live on the scoring server;
editing this copy changes nothing except your own understanding.
"""

import jax, jax.numpy as jnp
import numpy as np

BATCH = 1024
PAIRS = BATCH * (BATCH - 1) // 2


def setup_inputs(seed: int = 0) -> dict:
    key = jax.random.key(seed)
    x = jax.random.normal(key, (BATCH,), dtype=jnp.float32)
    return {"x": x}


def reference(x):
    # Faithful translation of the nested loop:
    #   for i in range(B):
    #     for j in range(i+1, B):
    #       x1[count] = x[i]; x2[count] = x[j]
    # This enumerates pairs in row-major upper-triangular order (k=1),
    # which is exactly what jnp.triu_indices produces.
    i_idx, j_idx = jnp.triu_indices(BATCH, k=1)
    x1 = jnp.take(x, i_idx)
    x2 = jnp.take(x, j_idx)
    return (x1, x2)

if __name__ == "__main__":
    import jax
    _d = setup_inputs()
    print(jax.jit(kernel)(*tuple(_d.values())))

</pallas_src>

<mosaic_0001>
#map = affine_map<(d0, d1) -> (0)>
module attributes {stable_mosaic.version = 14 : i64} {
  func.func @_pairs_body(%arg0: i32, %arg1: i32, %arg2: memref<1024xf32, #tpu.memory_space<hbm>>, %arg3: memref<523776xf32, #tpu.memory_space<hbm>>, %arg4: memref<523776xf32, #tpu.memory_space<hbm>>, %arg5: memref<1040xf32, #tpu.memory_space<vmem>>, %arg6: memref<16400xf32, #tpu.memory_space<vmem>>, %arg7: memref<16400xf32, #tpu.memory_space<vmem>>, %arg8: memref<!tpu.dma_semaphore, #tpu.memory_space<semaphore_mem>>, %arg9: memref<!tpu.dma_semaphore, #tpu.memory_space<semaphore_mem>>) attributes {dimension_semantics = [#tpu.dimension_semantics<core_parallel>, #tpu.dimension_semantics<subcore_parallel>], iteration_bounds = array<i64: 2, 16>, scalar_prefetch = 0 : i64, scratch_operands = 5 : i64, tpu.core_type = #tpu.core_type<sc_vector_subcore>, window_params = [{transform_indices = #map}, {transform_indices = #map}, {transform_indices = #map}]} {
    %mul3A = arith.constant 2 : i32
    %mul3A_0 = arith.muli %arg1, %mul3A : i32
    %add3A = arith.addi %mul3A_0, %arg0 : i32
    %dma_start3A = arith.constant 0 : i32
    %dma_start3A_1 = tpu.memref_slice %arg5[%dma_start3A] : memref<1040xf32, #tpu.memory_space<vmem>> -> memref<1024xf32, #tpu.memory_space<vmem>>
    %dma_start3A_2 = arith.constant 0 : i32
    %dma_start3A_3 = tpu.memref_slice %arg5[%dma_start3A_2] : memref<1040xf32, #tpu.memory_space<vmem>> -> memref<1024xf32, #tpu.memory_space<vmem>>
    tpu.enqueue_dma source(%arg2 : memref<1024xf32, #tpu.memory_space<hbm>>) target(%dma_start3A_3 : memref<1024xf32, #tpu.memory_space<vmem>>) target_semaphore(%arg8 : memref<!tpu.dma_semaphore, #tpu.memory_space<semaphore_mem>>)
    %dma_wait3A = arith.constant 0 : i32
    %dma_wait3A_4 = tpu.memref_slice %arg5[%dma_wait3A] : memref<1040xf32, #tpu.memory_space<vmem>> -> memref<1024xf32, #tpu.memory_space<vmem>>
    %dma_wait3A_5 = arith.constant 0 : i32
    %dma_wait3A_6 = tpu.memref_slice %arg5[%dma_wait3A_5] : memref<1040xf32, #tpu.memory_space<vmem>> -> memref<1024xf32, #tpu.memory_space<vmem>>
    tpu.wait_dma2 semaphore(%arg8 : memref<!tpu.dma_semaphore, #tpu.memory_space<semaphore_mem>>) src(%arg2 : memref<1024xf32, #tpu.memory_space<hbm>>) dst(%dma_wait3A_6 : memref<1024xf32, #tpu.memory_space<vmem>>)
    %mul3A_7 = arith.constant 16 : i32
    %mul3A_8 = arith.muli %mul3A_7, %add3A : i32
    %mul3A_9 = arith.constant 16 : i32
    %mul3A_10 = arith.muli %mul3A_9, %add3A : i32
    %sub3A = arith.constant 1008 : i32
    %sub3A_11 = arith.subi %sub3A, %mul3A_10 : i32
    %sub3A_12 = arith.constant 63 : i32
    %sub3A_13 = arith.subi %sub3A_12, %add3A : i32
    %mul3A_14 = arith.constant 256 : i32
    %mul3A_15 = arith.muli %mul3A_14, %add3A : i32
    %sub3A_16 = arith.constant 16248 : i32
    %sub3A_17 = arith.subi %sub3A_16, %mul3A_15 : i32
    %mul3A_18 = arith.constant 8 : i32
    %mul3A_19 = arith.muli %mul3A_18, %add3A : i32
    %mul3A_20 = arith.constant 16 : i32
    %mul3A_21 = arith.muli %mul3A_20, %add3A : i32
    %sub3A_22 = arith.constant 2047 : i32
    %sub3A_23 = arith.subi %sub3A_22, %mul3A_21 : i32
    %mul3A_24 = arith.muli %mul3A_19, %sub3A_23 : i32
    %sub3A_25 = arith.constant 63 : i32
    %sub3A_26 = arith.subi %sub3A_25, %add3A : i32
    %mul3A_27 = arith.constant 8 : i32
    %mul3A_28 = arith.muli %mul3A_27, %sub3A_26 : i32
    %mul3A_29 = arith.constant 16 : i32
    %mul3A_30 = arith.muli %mul3A_29, %sub3A_26 : i32
    %sub3A_31 = arith.constant 2047 : i32
    %sub3A_32 = arith.subi %sub3A_31, %mul3A_30 : i32
    %mul3A_33 = arith.muli %mul3A_28, %sub3A_32 : i32
    %scan3A = arith.constant 0 : i32
    %scan3A_34 = arith.constant 0 : i32
    %scan3A_35 = arith.constant 16 : i32
    %scan3A_36 = arith.addi %scan3A_34, %scan3A_35 : i32
    %scan3A_37 = arith.constant 1 : i32
    %scan3A_38 = scf.for %scan3A_151 = %scan3A_34 to %scan3A_36 step %scan3A_37 iter_args(%scan3A_152 = %scan3A) -> (i32)  : i32 {
      %add3A_153 = arith.addi %mul3A_8, %scan3A_151 : i32
      %sub3A_154 = arith.constant 1023 : i32
      %sub3A_155 = arith.subi %sub3A_154, %add3A_153 : i32
      %add3A_156 = arith.constant 15 : i32
      %add3A_157 = arith.addi %sub3A_155, %add3A_156 : i32
      %shift_right_arithmetic3A_158 = arith.constant 4 : i32
      %shift_right_arithmetic3A_159 = arith.shrsi %add3A_157, %shift_right_arithmetic3A_158 : i32
      %shift_right_arithmetic3A_160 = arith.constant 3 : i32
      %shift_right_arithmetic3A_161 = arith.shrsi %shift_right_arithmetic3A_159, %shift_right_arithmetic3A_160 : i32
      %broadcast_in_dim3A = vector.broadcast %add3A_153 : i32 to vector<16xi32>
      %gather3A = tpu.vector_load_idx %arg5[%broadcast_in_dim3A] : memref<1040xf32, #tpu.memory_space<vmem>>[vector<16xi32>], vector<16xf32>,
      %add3A_162 = arith.constant 1 : i32
      %add3A_163 = arith.addi %add3A_153, %add3A_162 : i32
      %while3A_164 = arith.constant 0 : i32
      %while3A_165 = arith.subi %shift_right_arithmetic3A_161, %while3A_164 : i32
      %while3A_166 = arith.addi %while3A_164, %while3A_165 : i32
      %while3A_167 = arith.constant 1 : i32
      %while3A_168 = arith.divsi %while3A_165, %while3A_167 : i32
      %while3A_169 = arith.muli %while3A_168, %while3A_167 : i32
      %while3A_170 = arith.addi %while3A_164, %while3A_169 : i32
      %while3A_171 = arith.constant 1 : i32
      %while3A_172:2 = scf.for %while3A_204 = %while3A_164 to %while3A_170 step %while3A_171 iter_args(%while3A_205 = %scan3A_152, %while3A_206 = %add3A_163) -> (i32, i32)  : i32 {
        %add3A_207 = arith.constant 0 : i32
        %add3A_208 = arith.addi %while3A_205, %add3A_207 : i32
        %swap3A = arith.index_cast %add3A_208 : i32 to index
        %swap3A_209 = tpu.vector_load %arg6[%swap3A] {strides = array<i32>} : memref<16400xf32, #tpu.memory_space<vmem>>, vector<16xf32>,
        tpu.vector_store %arg6[%swap3A], %gather3A {strides = array<i32>} : memref<16400xf32, #tpu.memory_space<vmem>>, vector<16xf32>,
        %add3A_210 = arith.constant 0 : i32
        %add3A_211 = arith.addi %while3A_206, %add3A_210 : i32
        %get3A = arith.index_cast %add3A_211 : i32 to index
        %get3A_212 = tpu.vector_load %arg5[%get3A] {strides = array<i32>} : memref<1040xf32, #tpu.memory_space<vmem>>, vector<16xf32>,
        %add3A_213 = arith.constant 0 : i32
        %add3A_214 = arith.addi %while3A_205, %add3A_213 : i32
        %swap3A_215 = arith.index_cast %add3A_214 : i32 to index
        %swap3A_216 = tpu.vector_load %arg7[%swap3A_215] {strides = array<i32>} : memref<16400xf32, #tpu.memory_space<vmem>>, vector<16xf32>,
        tpu.vector_store %arg7[%swap3A_215], %get3A_212 {strides = array<i32>} : memref<16400xf32, #tpu.memory_space<vmem>>, vector<16xf32>,
        %add3A_217 = arith.constant 16 : i32
        %add3A_218 = arith.addi %while3A_205, %add3A_217 : i32
        %swap3A_219 = arith.index_cast %add3A_218 : i32 to index
        %swap3A_220 = tpu.vector_load %arg6[%swap3A_219] {strides = array<i32>} : memref<16400xf32, #tpu.memory_space<vmem>>, vector<16xf32>,
        tpu.vector_store %arg6[%swap3A_219], %gather3A {strides = array<i32>} : memref<16400xf32, #tpu.memory_space<vmem>>, vector<16xf32>,
        %add3A_221 = arith.constant 16 : i32
        %add3A_222 = arith.addi %while3A_206, %add3A_221 : i32
        %get3A_223 = arith.index_cast %add3A_222 : i32 to index
        %get3A_224 = tpu.vector_load %arg5[%get3A_223] {strides = array<i32>} : memref<1040xf32, #tpu.memory_space<vmem>>, vector<16xf32>,
        %add3A_225 = arith.constant 16 : i32
        %add3A_226 = arith.addi %while3A_205, %add3A_225 : i32
        %swap3A_227 = arith.index_cast %add3A_226 : i32 to index
        %swap3A_228 = tpu.vector_load %arg7[%swap3A_227] {strides = array<i32>} : memref<16400xf32, #tpu.memory_space<vmem>>, vector<16xf32>,
        tpu.vector_store %arg7[%swap3A_227], %get3A_224 {strides = array<i32>} : memref<16400xf32, #tpu.memory_space<vmem>>, vector<16xf32>,
        %add3A_229 = arith.constant 32 : i32
        %add3A_230 = arith.addi %while3A_205, %add3A_229 : i32
        %swap3A_231 = arith.index_cast %add3A_230 : i32 to index
        %swap3A_232 = tpu.vector_load %arg6[%swap3A_231] {strides = array<i32>} : memref<16400xf32, #tpu.memory_space<vmem>>, vector<16xf32>,
        tpu.vector_store %arg6[%swap3A_231], %gather3A {strides = array<i32>} : memref<16400xf32, #tpu.memory_space<vmem>>, vector<16xf32>,
        %add3A_233 = arith.constant 32 : i32
        %add3A_234 = arith.addi %while3A_206, %add3A_233 : i32
        %get3A_235 = arith.index_cast %add3A_234 : i32 to index
        %get3A_236 = tpu.vector_load %arg5[%get3A_235] {strides = array<i32>} : memref<1040xf32, #tpu.memory_space<vmem>>, vector<16xf32>,
        %add3A_237 = arith.constant 32 : i32
        %add3A_238 = arith.addi %while3A_205, %add3A_237 : i32
        %swap3A_239 = arith.index_cast %add3A_238 : i32 to index
        %swap3A_240 = tpu.vector_load %arg7[%swap3A_239] {strides = array<i32>} : memref<16400xf32, #tpu.memory_space<vmem>>, vector<16xf32>,
        tpu.vector_store %arg7[%swap3A_239], %get3A_236 {strides = array<i32>} : memref<16400xf32, #tpu.memory_space<vmem>>, vector<16xf32>,
        %add3A_241 = arith.constant 48 : i32
        %add3A_242 = arith.addi %while3A_205, %add3A_241 : i32
        %swap3A_243 = arith.index_cast %add3A_242 : i32 to index
        %swap3A_244 = tpu.vector_load %arg6[%swap3A_243] {strides = array<i32>} : memref<16400xf32, #tpu.memory_space<vmem>>, vector<16xf32>,
        tpu.vector_store %arg6[%swap3A_243], %gather3A {strides = array<i32>} : memref<16400xf32, #tpu.memory_space<vmem>>, vector<16xf32>,
        %add3A_245 = arith.constant 48 : i32
        %add3A_246 = arith.addi %while3A_206, %add3A_245 : i32
        %get3A_247 = arith.index_cast %add3A_246 : i32 to index
        %get3A_248 = tpu.vector_load %arg5[%get3A_247] {strides = array<i32>} : memref<1040xf32, #tpu.memory_space<vmem>>, vector<16xf32>,
        %add3A_249 = arith.constant 48 : i32
        %add3A_250 = arith.addi %while3A_205, %add3A_249 : i32
        %swap3A_251 = arith.index_cast %add3A_250 : i32 to index
        %swap3A_252 = tpu.vector_load %arg7[%swap3A_251] {strides = array<i32>} : memref<16400xf32, #tpu.memory_space<vmem>>, vector<16xf32>,
        tpu.vector_store %arg7[%swap3A_251], %get3A_248 {strides = array<i32>} : memref<16400xf32, #tpu.memory_space<vmem>>, vector<16xf32>,
        %add3A_253 = arith.constant 64 : i32
        %add3A_254 = arith.addi %while3A_205, %add3A_253 : i32
        %swap3A_255 = arith.index_cast %add3A_254 : i32 to index
        %swap3A_256 = tpu.vector_load %arg6[%swap3A_255] {strides = array<i32>} : memref<16400xf32, #tpu.memory_space<vmem>>, vector<16xf32>,
        tpu.vector_store %arg6[%swap3A_255], %gather3A {strides = array<i32>} : memref<16400xf32, #tpu.memory_space<vmem>>, vector<16xf32>,
        %add3A_257 = arith.constant 64 : i32
        %add3A_258 = arith.addi %while3A_206, %add3A_257 : i32
        %get3A_259 = arith.index_cast %add3A_258 : i32 to index
        %get3A_260 = tpu.vector_load %arg5[%get3A_259] {strides = array<i32>} : memref<1040xf32, #tpu.memory_space<vmem>>, vector<16xf32>,
        %add3A_261 = arith.constant 64 : i32
        %add3A_262 = arith.addi %while3A_205, %add3A_261 : i32
        %swap3A_263 = arith.index_cast %add3A_262 : i32 to index
        %swap3A_264 = tpu.vector_load %arg7[%swap3A_263] {strides = array<i32>} : memref<16400xf32, #tpu.memory_space<vmem>>, vector<16xf32>,
        tpu.vector_store %arg7[%swap3A_263], %get3A_260 {strides = array<i32>} : memref<16400xf32, #tpu.memory_space<vmem>>, vector<16xf32>,
        %add3A_265 = arith.constant 80 : i32
        %add3A_266 = arith.addi %while3A_205, %add3A_265 : i32
        %swap3A_267 = arith.index_cast %add3A_266 : i32 to index
        %swap3A_268 = tpu.vector_load %arg6[%swap3A_267] {strides = array<i32>} : memref<16400xf32, #tpu.memory_space<vmem>>, vector<16xf32>,
        tpu.vector_store %arg6[%swap3A_267], %gather3A {strides = array<i32>} : memref<16400xf32, #tpu.memory_space<vmem>>, vector<16xf32>,
        %add3A_269 = arith.constant 80 : i32
        %add3A_270 = arith.addi %while3A_206, %add3A_269 : i32
        %get3A_271 = arith.index_cast %add3A_270 : i32 to index
        %get3A_272 = tpu.vector_load %arg5[%get3A_271] {strides = array<i32>} : memref<1040xf32, #tpu.memory_space<vmem>>, vector<16xf32>,
        %add3A_273 = arith.constant 80 : i32
        %add3A_274 = arith.addi %while3A_205, %add3A_273 : i32
        %swap3A_275 = arith.index_cast %add3A_274 : i32 to index
        %swap3A_276 = tpu.vector_load %arg7[%swap3A_275] {strides = array<i32>} : memref<16400xf32, #tpu.memory_space<vmem>>, vector<16xf32>,
        tpu.vector_store %arg7[%swap3A_275], %get3A_272 {strides = array<i32>} : memref<16400xf32, #tpu.memory_space<vmem>>, vector<16xf32>,
        %add3A_277 = arith.constant 96 : i32
        %add3A_278 = arith.addi %while3A_205, %add3A_277 : i32
        %swap3A_279 = arith.index_cast %add3A_278 : i32 to index
        %swap3A_280 = tpu.vector_load %arg6[%swap3A_279] {strides = array<i32>} : memref<16400xf32, #tpu.memory_space<vmem>>, vector<16xf32>,
        tpu.vector_store %arg6[%swap3A_279], %gather3A {strides = array<i32>} : memref<16400xf32, #tpu.memory_space<vmem>>, vector<16xf32>,
        %add3A_281 = arith.constant 96 : i32
        %add3A_282 = arith.addi %while3A_206, %add3A_281 : i32
        %get3A_283 = arith.index_cast %add3A_282 : i32 to index
        %get3A_284 = tpu.vector_load %arg5[%get3A_283] {strides = array<i32>} : memref<1040xf32, #tpu.memory_space<vmem>>, vector<16xf32>,
        %add3A_285 = arith.constant 96 : i32
        %add3A_286 = arith.addi %while3A_205, %add3A_285 : i32
        %swap3A_287 = arith.index_cast %add3A_286 : i32 to index
        %swap3A_288 = tpu.vector_load %arg7[%swap3A_287] {strides = array<i32>} : memref<16400xf32, #tpu.memory_space<vmem>>, vector<16xf32>,
        tpu.vector_store %arg7[%swap3A_287], %get3A_284 {strides = array<i32>} : memref<16400xf32, #tpu.memory_space<vmem>>, vector<16xf32>,
        %add3A_289 = arith.constant 112 : i32
        %add3A_290 = arith.addi %while3A_205, %add3A_289 : i32
        %swap3A_291 = arith.index_cast %add3A_290 : i32 to index
        %swap3A_292 = tpu.vector_load %arg6[%swap3A_291] {strides = array<i32>} : memref<16400xf32, #tpu.memory_space<vmem>>, vector<16xf32>,
        tpu.vector_store %arg6[%swap3A_291], %gather3A {strides = array<i32>} : memref<16400xf32, #tpu.memory_space<vmem>>, vector<16xf32>,
        %add3A_293 = arith.constant 112 : i32
        %add3A_294 = arith.addi %while3A_206, %add3A_293 : i32
        %get3A_295 = arith.index_cast %add3A_294 : i32 to index
        %get3A_296 = tpu.vector_load %arg5[%get3A_295] {strides = array<i32>} : memref<1040xf32, #tpu.memory_space<vmem>>, vector<16xf32>,
        %add3A_297 = arith.constant 112 : i32
        %add3A_298 = arith.addi %while3A_205, %add3A_297 : i32
        %swap3A_299 = arith.index_cast %add3A_298 : i32 to index
        %swap3A_300 = tpu.vector_load %arg7[%swap3A_299] {strides = array<i32>} : memref<16400xf32, #tpu.memory_space<vmem>>, vector<16xf32>,
        tpu.vector_store %arg7[%swap3A_299], %get3A_296 {strides = array<i32>} : memref<16400xf32, #tpu.memory_space<vmem>>, vector<16xf32>,
        %add3A_301 = arith.constant 128 : i32
        %add3A_302 = arith.addi %while3A_205, %add3A_301 : i32
        %add3A_303 = arith.constant 128 : i32
        %add3A_304 = arith.addi %while3A_206, %add3A_303 : i32
        scf.yield %add3A_302, %add3A_304 : i32, i32
      }
      %while3A_173 = arith.constant 1 : i32
      %while3A_174:2 = scf.for %while3A_204 = %while3A_170 to %while3A_166 step %while3A_173 iter_args(%while3A_205 = %while3A_172#0, %while3A_206 = %while3A_172#1) -> (i32, i32)  : i32 {
        %add3A_207 = arith.constant 0 : i32
        %add3A_208 = arith.addi %while3A_205, %add3A_207 : i32
        %swap3A = arith.index_cast %add3A_208 : i32 to index
        %swap3A_209 = tpu.vector_load %arg6[%swap3A] {strides = array<i32>} : memref<16400xf32, #tpu.memory_space<vmem>>, vector<16xf32>,
        tpu.vector_store %arg6[%swap3A], %gather3A {strides = array<i32>} : memref<16400xf32, #tpu.memory_space<vmem>>, vector<16xf32>,
        %add3A_210 = arith.constant 0 : i32
        %add3A_211 = arith.addi %while3A_206, %add3A_210 : i32
        %get3A = arith.index_cast %add3A_211 : i32 to index
        %get3A_212 = tpu.vector_load %arg5[%get3A] {strides = array<i32>} : memref<1040xf32, #tpu.memory_space<vmem>>, vector<16xf32>,
        %add3A_213 = arith.constant 0 : i32
        %add3A_214 = arith.addi %while3A_205, %add3A_213 : i32
        %swap3A_215 = arith.index_cast %add3A_214 : i32 to index
        %swap3A_216 = tpu.vector_load %arg7[%swap3A_215] {strides = array<i32>} : memref<16400xf32, #tpu.memory_space<vmem>>, vector<16xf32>,
        tpu.vector_store %arg7[%swap3A_215], %get3A_212 {strides = array<i32>} : memref<16400xf32, #tpu.memory_space<vmem>>, vector<16xf32>,
        %add3A_217 = arith.constant 16 : i32
        %add3A_218 = arith.addi %while3A_205, %add3A_217 : i32
        %swap3A_219 = arith.index_cast %add3A_218 : i32 to index
        %swap3A_220 = tpu.vector_load %arg6[%swap3A_219] {strides = array<i32>} : memref<16400xf32, #tpu.memory_space<vmem>>, vector<16xf32>,
        tpu.vector_store %arg6[%swap3A_219], %gather3A {strides = array<i32>} : memref<16400xf32, #tpu.memory_space<vmem>>, vector<16xf32>,
        %add3A_221 = arith.constant 16 : i32
        %add3A_222 = arith.addi %while3A_206, %add3A_221 : i32
        %get3A_223 = arith.index_cast %add3A_222 : i32 to index
        %get3A_224 = tpu.vector_load %arg5[%get3A_223] {strides = array<i32>} : memref<1040xf32, #tpu.memory_space<vmem>>, vector<16xf32>,
        %add3A_225 = arith.constant 16 : i32
        %add3A_226 = arith.addi %while3A_205, %add3A_225 : i32
        %swap3A_227 = arith.index_cast %add3A_226 : i32 to index
        %swap3A_228 = tpu.vector_load %arg7[%swap3A_227] {strides = array<i32>} : memref<16400xf32, #tpu.memory_space<vmem>>, vector<16xf32>,
        tpu.vector_store %arg7[%swap3A_227], %get3A_224 {strides = array<i32>} : memref<16400xf32, #tpu.memory_space<vmem>>, vector<16xf32>,
        %add3A_229 = arith.constant 32 : i32
        %add3A_230 = arith.addi %while3A_205, %add3A_229 : i32
        %swap3A_231 = arith.index_cast %add3A_230 : i32 to index
        %swap3A_232 = tpu.vector_load %arg6[%swap3A_231] {strides = array<i32>} : memref<16400xf32, #tpu.memory_space<vmem>>, vector<16xf32>,
        tpu.vector_store %arg6[%swap3A_231], %gather3A {strides = array<i32>} : memref<16400xf32, #tpu.memory_space<vmem>>, vector<16xf32>,
        %add3A_233 = arith.constant 32 : i32
        %add3A_234 = arith.addi %while3A_206, %add3A_233 : i32
        %get3A_235 = arith.index_cast %add3A_234 : i32 to index
        %get3A_236 = tpu.vector_load %arg5[%get3A_235] {strides = array<i32>} : memref<1040xf32, #tpu.memory_space<vmem>>, vector<16xf32>,
        %add3A_237 = arith.constant 32 : i32
        %add3A_238 = arith.addi %while3A_205, %add3A_237 : i32
        %swap3A_239 = arith.index_cast %add3A_238 : i32 to index
        %swap3A_240 = tpu.vector_load %arg7[%swap3A_239] {strides = array<i32>} : memref<16400xf32, #tpu.memory_space<vmem>>, vector<16xf32>,
        tpu.vector_store %arg7[%swap3A_239], %get3A_236 {strides = array<i32>} : memref<16400xf32, #tpu.memory_space<vmem>>, vector<16xf32>,
        %add3A_241 = arith.constant 48 : i32
        %add3A_242 = arith.addi %while3A_205, %add3A_241 : i32
        %swap3A_243 = arith.index_cast %add3A_242 : i32 to index
        %swap3A_244 = tpu.vector_load %arg6[%swap3A_243] {strides = array<i32>} : memref<16400xf32, #tpu.memory_space<vmem>>, vector<16xf32>,
        tpu.vector_store %arg6[%swap3A_243], %gather3A {strides = array<i32>} : memref<16400xf32, #tpu.memory_space<vmem>>, vector<16xf32>,
        %add3A_245 = arith.constant 48 : i32
        %add3A_246 = arith.addi %while3A_206, %add3A_245 : i32
        %get3A_247 = arith.index_cast %add3A_246 : i32 to index
        %get3A_248 = tpu.vector_load %arg5[%get3A_247] {strides = array<i32>} : memref<1040xf32, #tpu.memory_space<vmem>>, vector<16xf32>,
        %add3A_249 = arith.constant 48 : i32
        %add3A_250 = arith.addi %while3A_205, %add3A_249 : i32
        %swap3A_251 = arith.index_cast %add3A_250 : i32 to index
        %swap3A_252 = tpu.vector_load %arg7[%swap3A_251] {strides = array<i32>} : memref<16400xf32, #tpu.memory_space<vmem>>, vector<16xf32>,
        tpu.vector_store %arg7[%swap3A_251], %get3A_248 {strides = array<i32>} : memref<16400xf32, #tpu.memory_space<vmem>>, vector<16xf32>,
        %add3A_253 = arith.constant 64 : i32
        %add3A_254 = arith.addi %while3A_205, %add3A_253 : i32
        %swap3A_255 = arith.index_cast %add3A_254 : i32 to index
        %swap3A_256 = tpu.vector_load %arg6[%swap3A_255] {strides = array<i32>} : memref<16400xf32, #tpu.memory_space<vmem>>, vector<16xf32>,
        tpu.vector_store %arg6[%swap3A_255], %gather3A {strides = array<i32>} : memref<16400xf32, #tpu.memory_space<vmem>>, vector<16xf32>,
        %add3A_257 = arith.constant 64 : i32
        %add3A_258 = arith.addi %while3A_206, %add3A_257 : i32
        %get3A_259 = arith.index_cast %add3A_258 : i32 to index
        %get3A_260 = tpu.vector_load %arg5[%get3A_259] {strides = array<i32>} : memref<1040xf32, #tpu.memory_space<vmem>>, vector<16xf32>,
        %add3A_261 = arith.constant 64 : i32
        %add3A_262 = arith.addi %while3A_205, %add3A_261 : i32
        %swap3A_263 = arith.index_cast %add3A_262 : i32 to index
        %swap3A_264 = tpu.vector_load %arg7[%swap3A_263] {strides = array<i32>} : memref<16400xf32, #tpu.memory_space<vmem>>, vector<16xf32>,
        tpu.vector_store %arg7[%swap3A_263], %get3A_260 {strides = array<i32>} : memref<16400xf32, #tpu.memory_space<vmem>>, vector<16xf32>,
        %add3A_265 = arith.constant 80 : i32
        %add3A_266 = arith.addi %while3A_205, %add3A_265 : i32
        %swap3A_267 = arith.index_cast %add3A_266 : i32 to index
        %swap3A_268 = tpu.vector_load %arg6[%swap3A_267] {strides = array<i32>} : memref<16400xf32, #tpu.memory_space<vmem>>, vector<16xf32>,
        tpu.vector_store %arg6[%swap3A_267], %gather3A {strides = array<i32>} : memref<16400xf32, #tpu.memory_space<vmem>>, vector<16xf32>,
        %add3A_269 = arith.constant 80 : i32
        %add3A_270 = arith.addi %while3A_206, %add3A_269 : i32
        %get3A_271 = arith.index_cast %add3A_270 : i32 to index
        %get3A_272 = tpu.vector_load %arg5[%get3A_271] {strides = array<i32>} : memref<1040xf32, #tpu.memory_space<vmem>>, vector<16xf32>,
        %add3A_273 = arith.constant 80 : i32
        %add3A_274 = arith.addi %while3A_205, %add3A_273 : i32
        %swap3A_275 = arith.index_cast %add3A_274 : i32 to index
        %swap3A_276 = tpu.vector_load %arg7[%swap3A_275] {strides = array<i32>} : memref<16400xf32, #tpu.memory_space<vmem>>, vector<16xf32>,
        tpu.vector_store %arg7[%swap3A_275], %get3A_272 {strides = array<i32>} : memref<16400xf32, #tpu.memory_space<vmem>>, vector<16xf32>,
        %add3A_277 = arith.constant 96 : i32
        %add3A_278 = arith.addi %while3A_205, %add3A_277 : i32
        %swap3A_279 = arith.index_cast %add3A_278 : i32 to index
        %swap3A_280 = tpu.vector_load %arg6[%swap3A_279] {strides = array<i32>} : memref<16400xf32, #tpu.memory_space<vmem>>, vector<16xf32>,
        tpu.vector_store %arg6[%swap3A_279], %gather3A {strides = array<i32>} : memref<16400xf32, #tpu.memory_space<vmem>>, vector<16xf32>,
        %add3A_281 = arith.constant 96 : i32
        %add3A_282 = arith.addi %while3A_206, %add3A_281 : i32
        %get3A_283 = arith.index_cast %add3A_282 : i32 to index
        %get3A_284 = tpu.vector_load %arg5[%get3A_283] {strides = array<i32>} : memref<1040xf32, #tpu.memory_space<vmem>>, vector<16xf32>,
        %add3A_285 = arith.constant 96 : i32
        %add3A_286 = arith.addi %while3A_205, %add3A_285 : i32
        %swap3A_287 = arith.index_cast %add3A_286 : i32 to index
        %swap3A_288 = tpu.vector_load %arg7[%swap3A_287] {strides = array<i32>} : memref<16400xf32, #tpu.memory_space<vmem>>, vector<16xf32>,
        tpu.vector_store %arg7[%swap3A_287], %get3A_284 {strides = array<i32>} : memref<16400xf32, #tpu.memory_space<vmem>>, vector<16xf32>,
        %add3A_289 = arith.constant 112 : i32
        %add3A_290 = arith.addi %while3A_205, %add3A_289 : i32
        %swap3A_291 = arith.index_cast %add3A_290 : i32 to index
        %swap3A_292 = tpu.vector_load %arg6[%swap3A_291] {strides = array<i32>} : memref<16400xf32, #tpu.memory_space<vmem>>, vector<16xf32>,
        tpu.vector_store %arg6[%swap3A_291], %gather3A {strides = array<i32>} : memref<16400xf32, #tpu.memory_space<vmem>>, vector<16xf32>,
        %add3A_293 = arith.constant 112 : i32
        %add3A_294 = arith.addi %while3A_206, %add3A_293 : i32
        %get3A_295 = arith.index_cast %add3A_294 : i32 to index
        %get3A_296 = tpu.vector_load %arg5[%get3A_295] {strides = array<i32>} : memref<1040xf32, #tpu.memory_space<vmem>>, vector<16xf32>,
        %add3A_297 = arith.constant 112 : i32
        %add3A_298 = arith.addi %while3A_205, %add3A_297 : i32
        %swap3A_299 = arith.index_cast %add3A_298 : i32 to index
        %swap3A_300 = tpu.vector_load %arg7[%swap3A_299] {strides = array<i32>} : memref<16400xf32, #tpu.memory_space<vmem>>, vector<16xf32>,
        tpu.vector_store %arg7[%swap3A_299], %get3A_296 {strides = array<i32>} : memref<16400xf32, #tpu.memory_space<vmem>>, vector<16xf32>,
        %add3A_301 = arith.constant 128 : i32
        %add3A_302 = arith.addi %while3A_205, %add3A_301 : i32
        %add3A_303 = arith.constant 128 : i32
        %add3A_304 = arith.addi %while3A_206, %add3A_303 : i32
        scf.yield %add3A_302, %add3A_304 : i32, i32
      }
      %shift_right_arithmetic3A_175 = arith.constant 2 : i32
      %shift_right_arithmetic3A_176 = arith.shrsi %shift_right_arithmetic3A_159, %shift_right_arithmetic3A_175 : i32
      %and3A_177 = arith.constant 1 : i32
      %and3A_178 = arith.andi %shift_right_arithmetic3A_176, %and3A_177 : i32
      %while3A_179 = arith.constant 0 : i32
      %while3A_180 = arith.subi %and3A_178, %while3A_179 : i32
      %while3A_181 = arith.addi %while3A_179, %while3A_180 : i32
      %while3A_182 = arith.constant 1 : i32
      %while3A_183 = arith.divsi %while3A_180, %while3A_182 : i32
      %while3A_184 = arith.muli %while3A_183, %while3A_182 : i32
      %while3A_185 = arith.addi %while3A_179, %while3A_184 : i32
      %while3A_186 = arith.constant 1 : i32
      %while3A_187:2 = scf.for %while3A_204 = %while3A_179 to %while3A_185 step %while3A_186 iter_args(%while3A_205 = %while3A_174#0, %while3A_206 = %while3A_174#1) -> (i32, i32)  : i32 {
        %add3A_207 = arith.constant 0 : i32
        %add3A_208 = arith.addi %while3A_205, %add3A_207 : i32
        %swap3A = arith.index_cast %add3A_208 : i32 to index
        %swap3A_209 = tpu.vector_load %arg6[%swap3A] {strides = array<i32>} : memref<16400xf32, #tpu.memory_space<vmem>>, vector<16xf32>,
        tpu.vector_store %arg6[%swap3A], %gather3A {strides = array<i32>} : memref<16400xf32, #tpu.memory_space<vmem>>, vector<16xf32>,
        %add3A_210 = arith.constant 0 : i32
        %add3A_211 = arith.addi %while3A_206, %add3A_210 : i32
        %get3A = arith.index_cast %add3A_211 : i32 to index
        %get3A_212 = tpu.vector_load %arg5[%get3A] {strides = array<i32>} : memref<1040xf32, #tpu.memory_space<vmem>>, vector<16xf32>,
        %add3A_213 = arith.constant 0 : i32
        %add3A_214 = arith.addi %while3A_205, %add3A_213 : i32
        %swap3A_215 = arith.index_cast %add3A_214 : i32 to index
        %swap3A_216 = tpu.vector_load %arg7[%swap3A_215] {strides = array<i32>} : memref<16400xf32, #tpu.memory_space<vmem>>, vector<16xf32>,
        tpu.vector_store %arg7[%swap3A_215], %get3A_212 {strides = array<i32>} : memref<16400xf32, #tpu.memory_space<vmem>>, vector<16xf32>,
        %add3A_217 = arith.constant 16 : i32
        %add3A_218 = arith.addi %while3A_205, %add3A_217 : i32
        %swap3A_219 = arith.index_cast %add3A_218 : i32 to index
        %swap3A_220 = tpu.vector_load %arg6[%swap3A_219] {strides = array<i32>} : memref<16400xf32, #tpu.memory_space<vmem>>, vector<16xf32>,
        tpu.vector_store %arg6[%swap3A_219], %gather3A {strides = array<i32>} : memref<16400xf32, #tpu.memory_space<vmem>>, vector<16xf32>,
        %add3A_221 = arith.constant 16 : i32
        %add3A_222 = arith.addi %while3A_206, %add3A_221 : i32
        %get3A_223 = arith.index_cast %add3A_222 : i32 to index
        %get3A_224 = tpu.vector_load %arg5[%get3A_223] {strides = array<i32>} : memref<1040xf32, #tpu.memory_space<vmem>>, vector<16xf32>,
        %add3A_225 = arith.constant 16 : i32
        %add3A_226 = arith.addi %while3A_205, %add3A_225 : i32
        %swap3A_227 = arith.index_cast %add3A_226 : i32 to index
        %swap3A_228 = tpu.vector_load %arg7[%swap3A_227] {strides = array<i32>} : memref<16400xf32, #tpu.memory_space<vmem>>, vector<16xf32>,
        tpu.vector_store %arg7[%swap3A_227], %get3A_224 {strides = array<i32>} : memref<16400xf32, #tpu.memory_space<vmem>>, vector<16xf32>,
        %add3A_229 = arith.constant 32 : i32
        %add3A_230 = arith.addi %while3A_205, %add3A_229 : i32
        %swap3A_231 = arith.index_cast %add3A_230 : i32 to index
        %swap3A_232 = tpu.vector_load %arg6[%swap3A_231] {strides = array<i32>} : memref<16400xf32, #tpu.memory_space<vmem>>, vector<16xf32>,
        tpu.vector_store %arg6[%swap3A_231], %gather3A {strides = array<i32>} : memref<16400xf32, #tpu.memory_space<vmem>>, vector<16xf32>,
        %add3A_233 = arith.constant 32 : i32
        %add3A_234 = arith.addi %while3A_206, %add3A_233 : i32
        %get3A_235 = arith.index_cast %add3A_234 : i32 to index
        %get3A_236 = tpu.vector_load %arg5[%get3A_235] {strides = array<i32>} : memref<1040xf32, #tpu.memory_space<vmem>>, vector<16xf32>,
        %add3A_237 = arith.constant 32 : i32
        %add3A_238 = arith.addi %while3A_205, %add3A_237 : i32
        %swap3A_239 = arith.index_cast %add3A_238 : i32 to index
        %swap3A_240 = tpu.vector_load %arg7[%swap3A_239] {strides = array<i32>} : memref<16400xf32, #tpu.memory_space<vmem>>, vector<16xf32>,
        tpu.vector_store %arg7[%swap3A_239], %get3A_236 {strides = array<i32>} : memref<16400xf32, #tpu.memory_space<vmem>>, vector<16xf32>,
        %add3A_241 = arith.constant 48 : i32
        %add3A_242 = arith.addi %while3A_205, %add3A_241 : i32
        %swap3A_243 = arith.index_cast %add3A_242 : i32 to index
        %swap3A_244 = tpu.vector_load %arg6[%swap3A_243] {strides = array<i32>} : memref<16400xf32, #tpu.memory_space<vmem>>, vector<16xf32>,
        tpu.vector_store %arg6[%swap3A_243], %gather3A {strides = array<i32>} : memref<16400xf32, #tpu.memory_space<vmem>>, vector<16xf32>,
        %add3A_245 = arith.constant 48 : i32
        %add3A_246 = arith.addi %while3A_206, %add3A_245 : i32
        %get3A_247 = arith.index_cast %add3A_246 : i32 to index
        %get3A_248 = tpu.vector_load %arg5[%get3A_247] {strides = array<i32>} : memref<1040xf32, #tpu.memory_space<vmem>>, vector<16xf32>,
        %add3A_249 = arith.constant 48 : i32
        %add3A_250 = arith.addi %while3A_205, %add3A_249 : i32
        %swap3A_251 = arith.index_cast %add3A_250 : i32 to index
        %swap3A_252 = tpu.vector_load %arg7[%swap3A_251] {strides = array<i32>} : memref<16400xf32, #tpu.memory_space<vmem>>, vector<16xf32>,
        tpu.vector_store %arg7[%swap3A_251], %get3A_248 {strides = array<i32>} : memref<16400xf32, #tpu.memory_space<vmem>>, vector<16xf32>,
        %add3A_253 = arith.constant 64 : i32
        %add3A_254 = arith.addi %while3A_205, %add3A_253 : i32
        %add3A_255 = arith.constant 64 : i32
        %add3A_256 = arith.addi %while3A_206, %add3A_255 : i32
        scf.yield %add3A_254, %add3A_256 : i32, i32
      }
      %while3A_188 = arith.constant 1 : i32
      %while3A_189:2 = scf.for %while3A_204 = %while3A_185 to %while3A_181 step %while3A_188 iter_args(%while3A_205 = %while3A_187#0, %while3A_206 = %while3A_187#1) -> (i32, i32)  : i32 {
        %add3A_207 = arith.constant 0 : i32
        %add3A_208 = arith.addi %while3A_205, %add3A_207 : i32
        %swap3A = arith.index_cast %add3A_208 : i32 to index
        %swap3A_209 = tpu.vector_load %arg6[%swap3A] {strides = array<i32>} : memref<16400xf32, #tpu.memory_space<vmem>>, vector<16xf32>,
        tpu.vector_store %arg6[%swap3A], %gather3A {strides = array<i32>} : memref<16400xf32, #tpu.memory_space<vmem>>, vector<16xf32>,
        %add3A_210 = arith.constant 0 : i32
        %add3A_211 = arith.addi %while3A_206, %add3A_210 : i32
        %get3A = arith.index_cast %add3A_211 : i32 to index
        %get3A_212 = tpu.vector_load %arg5[%get3A] {strides = array<i32>} : memref<1040xf32, #tpu.memory_space<vmem>>, vector<16xf32>,
        %add3A_213 = arith.constant 0 : i32
        %add3A_214 = arith.addi %while3A_205, %add3A_213 : i32
        %swap3A_215 = arith.index_cast %add3A_214 : i32 to index
        %swap3A_216 = tpu.vector_load %arg7[%swap3A_215] {strides = array<i32>} : memref<16400xf32, #tpu.memory_space<vmem>>, vector<16xf32>,
        tpu.vector_store %arg7[%swap3A_215], %get3A_212 {strides = array<i32>} : memref<16400xf32, #tpu.memory_space<vmem>>, vector<16xf32>,
        %add3A_217 = arith.constant 16 : i32
        %add3A_218 = arith.addi %while3A_205, %add3A_217 : i32
        %swap3A_219 = arith.index_cast %add3A_218 : i32 to index
        %swap3A_220 = tpu.vector_load %arg6[%swap3A_219] {strides = array<i32>} : memref<16400xf32, #tpu.memory_space<vmem>>, vector<16xf32>,
        tpu.vector_store %arg6[%swap3A_219], %gather3A {strides = array<i32>} : memref<16400xf32, #tpu.memory_space<vmem>>, vector<16xf32>,
        %add3A_221 = arith.constant 16 : i32
        %add3A_222 = arith.addi %while3A_206, %add3A_221 : i32
        %get3A_223 = arith.index_cast %add3A_222 : i32 to index
        %get3A_224 = tpu.vector_load %arg5[%get3A_223] {strides = array<i32>} : memref<1040xf32, #tpu.memory_space<vmem>>, vector<16xf32>,
        %add3A_225 = arith.constant 16 : i32
        %add3A_226 = arith.addi %while3A_205, %add3A_225 : i32
        %swap3A_227 = arith.index_cast %add3A_226 : i32 to index
        %swap3A_228 = tpu.vector_load %arg7[%swap3A_227] {strides = array<i32>} : memref<16400xf32, #tpu.memory_space<vmem>>, vector<16xf32>,
        tpu.vector_store %arg7[%swap3A_227], %get3A_224 {strides = array<i32>} : memref<16400xf32, #tpu.memory_space<vmem>>, vector<16xf32>,
        %add3A_229 = arith.constant 32 : i32
        %add3A_230 = arith.addi %while3A_205, %add3A_229 : i32
        %swap3A_231 = arith.index_cast %add3A_230 : i32 to index
        %swap3A_232 = tpu.vector_load %arg6[%swap3A_231] {strides = array<i32>} : memref<16400xf32, #tpu.memory_space<vmem>>, vector<16xf32>,
        tpu.vector_store %arg6[%swap3A_231], %gather3A {strides = array<i32>} : memref<16400xf32, #tpu.memory_space<vmem>>, vector<16xf32>,
        %add3A_233 = arith.constant 32 : i32
        %add3A_234 = arith.addi %while3A_206, %add3A_233 : i32
        %get3A_235 = arith.index_cast %add3A_234 : i32 to index
        %get3A_236 = tpu.vector_load %arg5[%get3A_235] {strides = array<i32>} : memref<1040xf32, #tpu.memory_space<vmem>>, vector<16xf32>,
        %add3A_237 = arith.constant 32 : i32
        %add3A_238 = arith.addi %while3A_205, %add3A_237 : i32
        %swap3A_239 = arith.index_cast %add3A_238 : i32 to index
        %swap3A_240 = tpu.vector_load %arg7[%swap3A_239] {strides = array<i32>} : memref<16400xf32, #tpu.memory_space<vmem>>, vector<16xf32>,
        tpu.vector_store %arg7[%swap3A_239], %get3A_236 {strides = array<i32>} : memref<16400xf32, #tpu.memory_space<vmem>>, vector<16xf32>,
        %add3A_241 = arith.constant 48 : i32
        %add3A_242 = arith.addi %while3A_205, %add3A_241 : i32
        %swap3A_243 = arith.index_cast %add3A_242 : i32 to index
        %swap3A_244 = tpu.vector_load %arg6[%swap3A_243] {strides = array<i32>} : memref<16400xf32, #tpu.memory_space<vmem>>, vector<16xf32>,
        tpu.vector_store %arg6[%swap3A_243], %gather3A {strides = array<i32>} : memref<16400xf32, #tpu.memory_space<vmem>>, vector<16xf32>,
        %add3A_245 = arith.constant 48 : i32
        %add3A_246 = arith.addi %while3A_206, %add3A_245 : i32
        %get3A_247 = arith.index_cast %add3A_246 : i32 to index
        %get3A_248 = tpu.vector_load %arg5[%get3A_247] {strides = array<i32>} : memref<1040xf32, #tpu.memory_space<vmem>>, vector<16xf32>,
        %add3A_249 = arith.constant 48 : i32
        %add3A_250 = arith.addi %while3A_205, %add3A_249 : i32
        %swap3A_251 = arith.index_cast %add3A_250 : i32 to index
        %swap3A_252 = tpu.vector_load %arg7[%swap3A_251] {strides = array<i32>} : memref<16400xf32, #tpu.memory_space<vmem>>, vector<16xf32>,
        tpu.vector_store %arg7[%swap3A_251], %get3A_248 {strides = array<i32>} : memref<16400xf32, #tpu.memory_space<vmem>>, vector<16xf32>,
        %add3A_253 = arith.constant 64 : i32
        %add3A_254 = arith.addi %while3A_205, %add3A_253 : i32
        %add3A_255 = arith.constant 64 : i32
        %add3A_256 = arith.addi %while3A_206, %add3A_255 : i32
        scf.yield %add3A_254, %add3A_256 : i32, i32
      }
      %and3A_190 = arith.constant 3 : i32
      %and3A_191 = arith.andi %shift_right_arithmetic3A_159, %and3A_190 : i32
      %while3A_192 = arith.constant 0 : i32
      %while3A_193 = arith.subi %and3A_191, %while3A_192 : i32
      %while3A_194 = arith.addi %while3A_192, %while3A_193 : i32
      %while3A_195 = arith.constant 1 : i32
      %while3A_196 = arith.divsi %while3A_193, %while3A_195 : i32
      %while3A_197 = arith.muli %while3A_196, %while3A_195 : i32
      %while3A_198 = arith.addi %while3A_192, %while3A_197 : i32
      %while3A_199 = arith.constant 1 : i32
      %while3A_200:2 = scf.for %while3A_204 = %while3A_192 to %while3A_198 step %while3A_199 iter_args(%while3A_205 = %while3A_189#0, %while3A_206 = %while3A_189#1) -> (i32, i32)  : i32 {
        %swap3A = arith.index_cast %while3A_205 : i32 to index
        %swap3A_207 = tpu.vector_load %arg6[%swap3A] {strides = array<i32>} : memref<16400xf32, #tpu.memory_space<vmem>>, vector<16xf32>,
        tpu.vector_store %arg6[%swap3A], %gather3A {strides = array<i32>} : memref<16400xf32, #tpu.memory_space<vmem>>, vector<16xf32>,
        %get3A = arith.index_cast %while3A_206 : i32 to index
        %get3A_208 = tpu.vector_load %arg5[%get3A] {strides = array<i32>} : memref<1040xf32, #tpu.memory_space<vmem>>, vector<16xf32>,
        %swap3A_209 = arith.index_cast %while3A_205 : i32 to index
        %swap3A_210 = tpu.vector_load %arg7[%swap3A_209] {strides = array<i32>} : memref<16400xf32, #tpu.memory_space<vmem>>, vector<16xf32>,
        tpu.vector_store %arg7[%swap3A_209], %get3A_208 {strides = array<i32>} : memref<16400xf32, #tpu.memory_space<vmem>>, vector<16xf32>,
        %add3A_211 = arith.constant 16 : i32
        %add3A_212 = arith.addi %while3A_205, %add3A_211 : i32
        %add3A_213 = arith.constant 16 : i32
        %add3A_214 = arith.addi %while3A_206, %add3A_213 : i32
        scf.yield %add3A_212, %add3A_214 : i32, i32
      }
      %while3A_201 = arith.constant 1 : i32
      %while3A_202:2 = scf.for %while3A_204 = %while3A_198 to %while3A_194 step %while3A_201 iter_args(%while3A_205 = %while3A_200#0, %while3A_206 = %while3A_200#1) -> (i32, i32)  : i32 {
        %swap3A = arith.index_cast %while3A_205 : i32 to index
        %swap3A_207 = tpu.vector_load %arg6[%swap3A] {strides = array<i32>} : memref<16400xf32, #tpu.memory_space<vmem>>, vector<16xf32>,
        tpu.vector_store %arg6[%swap3A], %gather3A {strides = array<i32>} : memref<16400xf32, #tpu.memory_space<vmem>>, vector<16xf32>,
        %get3A = arith.index_cast %while3A_206 : i32 to index
        %get3A_208 = tpu.vector_load %arg5[%get3A] {strides = array<i32>} : memref<1040xf32, #tpu.memory_space<vmem>>, vector<16xf32>,
        %swap3A_209 = arith.index_cast %while3A_205 : i32 to index
        %swap3A_210 = tpu.vector_load %arg7[%swap3A_209] {strides = array<i32>} : memref<16400xf32, #tpu.memory_space<vmem>>, vector<16xf32>,
        tpu.vector_store %arg7[%swap3A_209], %get3A_208 {strides = array<i32>} : memref<16400xf32, #tpu.memory_space<vmem>>, vector<16xf32>,
        %add3A_211 = arith.constant 16 : i32
        %add3A_212 = arith.addi %while3A_205, %add3A_211 : i32
        %add3A_213 = arith.constant 16 : i32
        %add3A_214 = arith.addi %while3A_206, %add3A_213 : i32
        scf.yield %add3A_212, %add3A_214 : i32, i32
      }
      %add3A_203 = arith.addi %scan3A_152, %sub3A_155 : i32
      scf.yield %add3A_203 : i32
    }
    %scan3A_39 = arith.constant 16 : i32
    %shift_right_arithmetic3A = arith.constant 3 : i32
    %shift_right_arithmetic3A_40 = arith.shrsi %sub3A_13, %shift_right_arithmetic3A : i32
    %and3A = arith.constant 7 : i32
    %and3A_41 = arith.andi %sub3A_13, %and3A : i32
    %while3A = arith.constant 0 : i32
    %while3A_42 = arith.constant 0 : i32
    %while3A_43 = arith.subi %shift_right_arithmetic3A_40, %while3A_42 : i32
    %while3A_44 = arith.addi %while3A_42, %while3A_43 : i32
    %while3A_45 = arith.constant 1 : i32
    %while3A_46 = arith.divsi %while3A_43, %while3A_45 : i32
    %while3A_47 = arith.muli %while3A_46, %while3A_45 : i32
    %while3A_48 = arith.addi %while3A_42, %while3A_47 : i32
    %while3A_49 = arith.constant 1 : i32
    scf.for %while3A_151 = %while3A_42 to %while3A_48 step %while3A_49  : i32 {
      %mul3A_152 = arith.constant 2048 : i32
      %mul3A_153 = arith.muli %while3A_151, %mul3A_152 : i32
      %add3A_154 = arith.constant 0 : i32
      %add3A_155 = arith.addi %add3A_154, %mul3A_153 : i32
      %add3A_156 = arith.addi %mul3A_24, %mul3A_153 : i32
      %multiple_of3A_157 = tpu.assume_multiple %add3A_155, 8 : i32
      %multiple_of3A_158 = tpu.assume_multiple %add3A_156, 8 : i32
      %dma_start3A_159 = tpu.memref_slice %arg6[%multiple_of3A_157] : memref<16400xf32, #tpu.memory_space<vmem>> -> memref<2048xf32, #tpu.memory_space<vmem>>
      %dma_start3A_160 = tpu.memref_slice %arg3[%multiple_of3A_158] : memref<523776xf32, #tpu.memory_space<hbm>> -> memref<2048xf32, #tpu.memory_space<hbm>>
      %dma_start3A_161 = tpu.memref_slice %arg3[%multiple_of3A_158] : memref<523776xf32, #tpu.memory_space<hbm>> -> memref<2048xf32, #tpu.memory_space<hbm>>
      %dma_start3A_162 = tpu.memref_slice %arg6[%multiple_of3A_157] : memref<16400xf32, #tpu.memory_space<vmem>> -> memref<2048xf32, #tpu.memory_space<vmem>>
      tpu.enqueue_dma source(%dma_start3A_162 : memref<2048xf32, #tpu.memory_space<vmem>>) target(%dma_start3A_161 : memref<2048xf32, #tpu.memory_space<hbm>>) target_semaphore(%arg9 : memref<!tpu.dma_semaphore, #tpu.memory_space<semaphore_mem>>)
      %add3A_163 = arith.constant 0 : i32
      %add3A_164 = arith.addi %add3A_163, %mul3A_153 : i32
      %add3A_165 = arith.addi %mul3A_24, %mul3A_153 : i32
      %multiple_of3A_166 = tpu.assume_multiple %add3A_164, 8 : i32
      %multiple_of3A_167 = tpu.assume_multiple %add3A_165, 8 : i32
      %dma_start3A_168 = tpu.memref_slice %arg7[%multiple_of3A_166] : memref<16400xf32, #tpu.memory_space<vmem>> -> memref<2048xf32, #tpu.memory_space<vmem>>
      %dma_start3A_169 = tpu.memref_slice %arg4[%multiple_of3A_167] : memref<523776xf32, #tpu.memory_space<hbm>> -> memref<2048xf32, #tpu.memory_space<hbm>>
      %dma_start3A_170 = tpu.memref_slice %arg4[%multiple_of3A_167] : memref<523776xf32, #tpu.memory_space<hbm>> -> memref<2048xf32, #tpu.memory_space<hbm>>
      %dma_start3A_171 = tpu.memref_slice %arg7[%multiple_of3A_166] : memref<16400xf32, #tpu.memory_space<vmem>> -> memref<2048xf32, #tpu.memory_space<vmem>>
      tpu.enqueue_dma source(%dma_start3A_171 : memref<2048xf32, #tpu.memory_space<vmem>>) target(%dma_start3A_170 : memref<2048xf32, #tpu.memory_space<hbm>>) target_semaphore(%arg9 : memref<!tpu.dma_semaphore, #tpu.memory_space<semaphore_mem>>)
    }
    %while3A_50 = arith.constant 1 : i32
    scf.for %while3A_151 = %while3A_48 to %while3A_44 step %while3A_50  : i32 {
      %mul3A_152 = arith.constant 2048 : i32
      %mul3A_153 = arith.muli %while3A_151, %mul3A_152 : i32
      %add3A_154 = arith.constant 0 : i32
      %add3A_155 = arith.addi %add3A_154, %mul3A_153 : i32
      %add3A_156 = arith.addi %mul3A_24, %mul3A_153 : i32
      %multiple_of3A_157 = tpu.assume_multiple %add3A_155, 8 : i32
      %multiple_of3A_158 = tpu.assume_multiple %add3A_156, 8 : i32
      %dma_start3A_159 = tpu.memref_slice %arg6[%multiple_of3A_157] : memref<16400xf32, #tpu.memory_space<vmem>> -> memref<2048xf32, #tpu.memory_space<vmem>>
      %dma_start3A_160 = tpu.memref_slice %arg3[%multiple_of3A_158] : memref<523776xf32, #tpu.memory_space<hbm>> -> memref<2048xf32, #tpu.memory_space<hbm>>
      %dma_start3A_161 = tpu.memref_slice %arg3[%multiple_of3A_158] : memref<523776xf32, #tpu.memory_space<hbm>> -> memref<2048xf32, #tpu.memory_space<hbm>>
      %dma_start3A_162 = tpu.memref_slice %arg6[%multiple_of3A_157] : memref<16400xf32, #tpu.memory_space<vmem>> -> memref<2048xf32, #tpu.memory_space<vmem>>
      tpu.enqueue_dma source(%dma_start3A_162 : memref<2048xf32, #tpu.memory_space<vmem>>) target(%dma_start3A_161 : memref<2048xf32, #tpu.memory_space<hbm>>) target_semaphore(%arg9 : memref<!tpu.dma_semaphore, #tpu.memory_space<semaphore_mem>>)
      %add3A_163 = arith.constant 0 : i32
      %add3A_164 = arith.addi %add3A_163, %mul3A_153 : i32
      %add3A_165 = arith.addi %mul3A_24, %mul3A_153 : i32
      %multiple_of3A_166 = tpu.assume_multiple %add3A_164, 8 : i32
      %multiple_of3A_167 = tpu.assume_multiple %add3A_165, 8 : i32
      %dma_start3A_168 = tpu.memref_slice %arg7[%multiple_of3A_166] : memref<16400xf32, #tpu.memory_space<vmem>> -> memref<2048xf32, #tpu.memory_space<vmem>>
      %dma_start3A_169 = tpu.memref_slice %arg4[%multiple_of3A_167] : memref<523776xf32, #tpu.memory_space<hbm>> -> memref<2048xf32, #tpu.memory_space<hbm>>
      %dma_start3A_170 = tpu.memref_slice %arg4[%multiple_of3A_167] : memref<523776xf32, #tpu.memory_space<hbm>> -> memref<2048xf32, #tpu.memory_space<hbm>>
      %dma_start3A_171 = tpu.memref_slice %arg7[%multiple_of3A_166] : memref<16400xf32, #tpu.memory_space<vmem>> -> memref<2048xf32, #tpu.memory_space<vmem>>
      tpu.enqueue_dma source(%dma_start3A_171 : memref<2048xf32, #tpu.memory_space<vmem>>) target(%dma_start3A_170 : memref<2048xf32, #tpu.memory_space<hbm>>) target_semaphore(%arg9 : memref<!tpu.dma_semaphore, #tpu.memory_space<semaphore_mem>>)
    }
    %shift_left3A = arith.constant 11 : i32
    %shift_left3A_51 = arith.shli %shift_right_arithmetic3A_40, %shift_left3A : i32
    %while3A_52 = arith.constant 0 : i32
    %while3A_53 = arith.constant 0 : i32
    %while3A_54 = arith.subi %and3A_41, %while3A_53 : i32
    %while3A_55 = arith.addi %while3A_53, %while3A_54 : i32
    %while3A_56 = arith.constant 1 : i32
    %while3A_57 = arith.divsi %while3A_54, %while3A_56 : i32
    %while3A_58 = arith.muli %while3A_57, %while3A_56 : i32
    %while3A_59 = arith.addi %while3A_53, %while3A_58 : i32
    %while3A_60 = arith.constant 1 : i32
    scf.for %while3A_151 = %while3A_53 to %while3A_59 step %while3A_60  : i32 {
      %mul3A_152 = arith.constant 256 : i32
      %mul3A_153 = arith.muli %while3A_151, %mul3A_152 : i32
      %add3A_154 = arith.addi %shift_left3A_51, %mul3A_153 : i32
      %add3A_155 = arith.constant 0 : i32
      %add3A_156 = arith.addi %add3A_155, %add3A_154 : i32
      %add3A_157 = arith.addi %mul3A_24, %add3A_154 : i32
      %multiple_of3A_158 = tpu.assume_multiple %add3A_156, 8 : i32
      %multiple_of3A_159 = tpu.assume_multiple %add3A_157, 8 : i32
      %dma_start3A_160 = tpu.memref_slice %arg6[%multiple_of3A_158] : memref<16400xf32, #tpu.memory_space<vmem>> -> memref<256xf32, #tpu.memory_space<vmem>>
      %dma_start3A_161 = tpu.memref_slice %arg3[%multiple_of3A_159] : memref<523776xf32, #tpu.memory_space<hbm>> -> memref<256xf32, #tpu.memory_space<hbm>>
      %dma_start3A_162 = tpu.memref_slice %arg3[%multiple_of3A_159] : memref<523776xf32, #tpu.memory_space<hbm>> -> memref<256xf32, #tpu.memory_space<hbm>>
      %dma_start3A_163 = tpu.memref_slice %arg6[%multiple_of3A_158] : memref<16400xf32, #tpu.memory_space<vmem>> -> memref<256xf32, #tpu.memory_space<vmem>>
      tpu.enqueue_dma source(%dma_start3A_163 : memref<256xf32, #tpu.memory_space<vmem>>) target(%dma_start3A_162 : memref<256xf32, #tpu.memory_space<hbm>>) target_semaphore(%arg9 : memref<!tpu.dma_semaphore, #tpu.memory_space<semaphore_mem>>)
      %add3A_164 = arith.constant 0 : i32
      %add3A_165 = arith.addi %add3A_164, %add3A_154 : i32
      %add3A_166 = arith.addi %mul3A_24, %add3A_154 : i32
      %multiple_of3A_167 = tpu.assume_multiple %add3A_165, 8 : i32
      %multiple_of3A_168 = tpu.assume_multiple %add3A_166, 8 : i32
      %dma_start3A_169 = tpu.memref_slice %arg7[%multiple_of3A_167] : memref<16400xf32, #tpu.memory_space<vmem>> -> memref<256xf32, #tpu.memory_space<vmem>>
      %dma_start3A_170 = tpu.memref_slice %arg4[%multiple_of3A_168] : memref<523776xf32, #tpu.memory_space<hbm>> -> memref<256xf32, #tpu.memory_space<hbm>>
      %dma_start3A_171 = tpu.memref_slice %arg4[%multiple_of3A_168] : memref<523776xf32, #tpu.memory_space<hbm>> -> memref<256xf32, #tpu.memory_space<hbm>>
      %dma_start3A_172 = tpu.memref_slice %arg7[%multiple_of3A_167] : memref<16400xf32, #tpu.memory_space<vmem>> -> memref<256xf32, #tpu.memory_space<vmem>>
      tpu.enqueue_dma source(%dma_start3A_172 : memref<256xf32, #tpu.memory_space<vmem>>) target(%dma_start3A_171 : memref<256xf32, #tpu.memory_space<hbm>>) target_semaphore(%arg9 : memref<!tpu.dma_semaphore, #tpu.memory_space<semaphore_mem>>)
    }
    %while3A_61 = arith.constant 1 : i32
    scf.for %while3A_151 = %while3A_59 to %while3A_55 step %while3A_61  : i32 {
      %mul3A_152 = arith.constant 256 : i32
      %mul3A_153 = arith.muli %while3A_151, %mul3A_152 : i32
      %add3A_154 = arith.addi %shift_left3A_51, %mul3A_153 : i32
      %add3A_155 = arith.constant 0 : i32
      %add3A_156 = arith.addi %add3A_155, %add3A_154 : i32
      %add3A_157 = arith.addi %mul3A_24, %add3A_154 : i32
      %multiple_of3A_158 = tpu.assume_multiple %add3A_156, 8 : i32
      %multiple_of3A_159 = tpu.assume_multiple %add3A_157, 8 : i32
      %dma_start3A_160 = tpu.memref_slice %arg6[%multiple_of3A_158] : memref<16400xf32, #tpu.memory_space<vmem>> -> memref<256xf32, #tpu.memory_space<vmem>>
      %dma_start3A_161 = tpu.memref_slice %arg3[%multiple_of3A_159] : memref<523776xf32, #tpu.memory_space<hbm>> -> memref<256xf32, #tpu.memory_space<hbm>>
      %dma_start3A_162 = tpu.memref_slice %arg3[%multiple_of3A_159] : memref<523776xf32, #tpu.memory_space<hbm>> -> memref<256xf32, #tpu.memory_space<hbm>>
      %dma_start3A_163 = tpu.memref_slice %arg6[%multiple_of3A_158] : memref<16400xf32, #tpu.memory_space<vmem>> -> memref<256xf32, #tpu.memory_space<vmem>>
      tpu.enqueue_dma source(%dma_start3A_163 : memref<256xf32, #tpu.memory_space<vmem>>) target(%dma_start3A_162 : memref<256xf32, #tpu.memory_space<hbm>>) target_semaphore(%arg9 : memref<!tpu.dma_semaphore, #tpu.memory_space<semaphore_mem>>)
      %add3A_164 = arith.constant 0 : i32
      %add3A_165 = arith.addi %add3A_164, %add3A_154 : i32
      %add3A_166 = arith.addi %mul3A_24, %add3A_154 : i32
      %multiple_of3A_167 = tpu.assume_multiple %add3A_165, 8 : i32
      %multiple_of3A_168 = tpu.assume_multiple %add3A_166, 8 : i32
      %dma_start3A_169 = tpu.memref_slice %arg7[%multiple_of3A_167] : memref<16400xf32, #tpu.memory_space<vmem>> -> memref<256xf32, #tpu.memory_space<vmem>>
      %dma_start3A_170 = tpu.memref_slice %arg4[%multiple_of3A_168] : memref<523776xf32, #tpu.memory_space<hbm>> -> memref<256xf32, #tpu.memory_space<hbm>>
      %dma_start3A_171 = tpu.memref_slice %arg4[%multiple_of3A_168] : memref<523776xf32, #tpu.memory_space<hbm>> -> memref<256xf32, #tpu.memory_space<hbm>>
      %dma_start3A_172 = tpu.memref_slice %arg7[%multiple_of3A_167] : memref<16400xf32, #tpu.memory_space<vmem>> -> memref<256xf32, #tpu.memory_space<vmem>>
      tpu.enqueue_dma source(%dma_start3A_172 : memref<256xf32, #tpu.memory_space<vmem>>) target(%dma_start3A_171 : memref<256xf32, #tpu.memory_space<hbm>>) target_semaphore(%arg9 : memref<!tpu.dma_semaphore, #tpu.memory_space<semaphore_mem>>)
    }
    %shift_left3A_62 = arith.constant 8 : i32
    %shift_left3A_63 = arith.shli %sub3A_13, %shift_left3A_62 : i32
    %add3A_64 = arith.constant 0 : i32
    %add3A_65 = arith.addi %add3A_64, %shift_left3A_63 : i32
    %add3A_66 = arith.addi %mul3A_24, %shift_left3A_63 : i32
    %multiple_of3A = tpu.assume_multiple %add3A_65, 8 : i32
    %multiple_of3A_67 = tpu.assume_multiple %add3A_66, 8 : i32
    %dma_start3A_68 = tpu.memref_slice %arg6[%multiple_of3A] : memref<16400xf32, #tpu.memory_space<vmem>> -> memref<120xf32, #tpu.memory_space<vmem>>
    %dma_start3A_69 = tpu.memref_slice %arg3[%multiple_of3A_67] : memref<523776xf32, #tpu.memory_space<hbm>> -> memref<120xf32, #tpu.memory_space<hbm>>
    %dma_start3A_70 = tpu.memref_slice %arg3[%multiple_of3A_67] : memref<523776xf32, #tpu.memory_space<hbm>> -> memref<120xf32, #tpu.memory_space<hbm>>
    %dma_start3A_71 = tpu.memref_slice %arg6[%multiple_of3A] : memref<16400xf32, #tpu.memory_space<vmem>> -> memref<120xf32, #tpu.memory_space<vmem>>
    tpu.enqueue_dma source(%dma_start3A_71 : memref<120xf32, #tpu.memory_space<vmem>>) target(%dma_start3A_70 : memref<120xf32, #tpu.memory_space<hbm>>) target_semaphore(%arg9 : memref<!tpu.dma_semaphore, #tpu.memory_space<semaphore_mem>>)
    %add3A_72 = arith.constant 0 : i32
    %add3A_73 = arith.addi %add3A_72, %shift_left3A_63 : i32
    %add3A_74 = arith.addi %mul3A_24, %shift_left3A_63 : i32
    %multiple_of3A_75 = tpu.assume_multiple %add3A_73, 8 : i32
    %multiple_of3A_76 = tpu.assume_multiple %add3A_74, 8 : i32
    %dma_start3A_77 = tpu.memref_slice %arg7[%multiple_of3A_75] : memref<16400xf32, #tpu.memory_space<vmem>> -> memref<120xf32, #tpu.memory_space<vmem>>
    %dma_start3A_78 = tpu.memref_slice %arg4[%multiple_of3A_76] : memref<523776xf32, #tpu.memory_space<hbm>> -> memref<120xf32, #tpu.memory_space<hbm>>
    %dma_start3A_79 = tpu.memref_slice %arg4[%multiple_of3A_76] : memref<523776xf32, #tpu.memory_space<hbm>> -> memref<120xf32, #tpu.memory_space<hbm>>
    %dma_start3A_80 = tpu.memref_slice %arg7[%multiple_of3A_75] : memref<16400xf32, #tpu.memory_space<vmem>> -> memref<120xf32, #tpu.memory_space<vmem>>
    tpu.enqueue_dma source(%dma_start3A_80 : memref<120xf32, #tpu.memory_space<vmem>>) target(%dma_start3A_79 : memref<120xf32, #tpu.memory_space<hbm>>) target_semaphore(%arg9 : memref<!tpu.dma_semaphore, #tpu.memory_space<semaphore_mem>>)
    %add3A_81 = arith.constant 16 : i32
    %add3A_82 = arith.addi %sub3A_17, %add3A_81 : i32
    %scan3A_83 = arith.constant 0 : i32
    %scan3A_84 = arith.constant 16 : i32
    %scan3A_85 = arith.addi %scan3A_83, %scan3A_84 : i32
    %scan3A_86 = arith.constant 1 : i32
    %scan3A_87 = scf.for %scan3A_151 = %scan3A_83 to %scan3A_85 step %scan3A_86 iter_args(%scan3A_152 = %add3A_82) -> (i32)  : i32 {
      %add3A_153 = arith.addi %sub3A_11, %scan3A_151 : i32
      %sub3A_154 = arith.constant 1023 : i32
      %sub3A_155 = arith.subi %sub3A_154, %add3A_153 : i32
      %add3A_156 = arith.constant 15 : i32
      %add3A_157 = arith.addi %sub3A_155, %add3A_156 : i32
      %shift_right_arithmetic3A_158 = arith.constant 4 : i32
      %shift_right_arithmetic3A_159 = arith.shrsi %add3A_157, %shift_right_arithmetic3A_158 : i32
      %shift_right_arithmetic3A_160 = arith.constant 3 : i32
      %shift_right_arithmetic3A_161 = arith.shrsi %shift_right_arithmetic3A_159, %shift_right_arithmetic3A_160 : i32
      %broadcast_in_dim3A = vector.broadcast %add3A_153 : i32 to vector<16xi32>
      %gather3A = tpu.vector_load_idx %arg5[%broadcast_in_dim3A] : memref<1040xf32, #tpu.memory_space<vmem>>[vector<16xi32>], vector<16xf32>,
      %add3A_162 = arith.constant 1 : i32
      %add3A_163 = arith.addi %add3A_153, %add3A_162 : i32
      %while3A_164 = arith.constant 0 : i32
      %while3A_165 = arith.subi %shift_right_arithmetic3A_161, %while3A_164 : i32
      %while3A_166 = arith.addi %while3A_164, %while3A_165 : i32
      %while3A_167 = arith.constant 1 : i32
      %while3A_168 = arith.divsi %while3A_165, %while3A_167 : i32
      %while3A_169 = arith.muli %while3A_168, %while3A_167 : i32
      %while3A_170 = arith.addi %while3A_164, %while3A_169 : i32
      %while3A_171 = arith.constant 1 : i32
      %while3A_172:2 = scf.for %while3A_204 = %while3A_164 to %while3A_170 step %while3A_171 iter_args(%while3A_205 = %scan3A_152, %while3A_206 = %add3A_163) -> (i32, i32)  : i32 {
        %add3A_207 = arith.constant 0 : i32
        %add3A_208 = arith.addi %while3A_205, %add3A_207 : i32
        %swap3A = arith.index_cast %add3A_208 : i32 to index
        %swap3A_209 = tpu.vector_load %arg6[%swap3A] {strides = array<i32>} : memref<16400xf32, #tpu.memory_space<vmem>>, vector<16xf32>,
        tpu.vector_store %arg6[%swap3A], %gather3A {strides = array<i32>} : memref<16400xf32, #tpu.memory_space<vmem>>, vector<16xf32>,
        %add3A_210 = arith.constant 0 : i32
        %add3A_211 = arith.addi %while3A_206, %add3A_210 : i32
        %get3A = arith.index_cast %add3A_211 : i32 to index
        %get3A_212 = tpu.vector_load %arg5[%get3A] {strides = array<i32>} : memref<1040xf32, #tpu.memory_space<vmem>>, vector<16xf32>,
        %add3A_213 = arith.constant 0 : i32
        %add3A_214 = arith.addi %while3A_205, %add3A_213 : i32
        %swap3A_215 = arith.index_cast %add3A_214 : i32 to index
        %swap3A_216 = tpu.vector_load %arg7[%swap3A_215] {strides = array<i32>} : memref<16400xf32, #tpu.memory_space<vmem>>, vector<16xf32>,
        tpu.vector_store %arg7[%swap3A_215], %get3A_212 {strides = array<i32>} : memref<16400xf32, #tpu.memory_space<vmem>>, vector<16xf32>,
        %add3A_217 = arith.constant 16 : i32
        %add3A_218 = arith.addi %while3A_205, %add3A_217 : i32
        %swap3A_219 = arith.index_cast %add3A_218 : i32 to index
        %swap3A_220 = tpu.vector_load %arg6[%swap3A_219] {strides = array<i32>} : memref<16400xf32, #tpu.memory_space<vmem>>, vector<16xf32>,
        tpu.vector_store %arg6[%swap3A_219], %gather3A {strides = array<i32>} : memref<16400xf32, #tpu.memory_space<vmem>>, vector<16xf32>,
        %add3A_221 = arith.constant 16 : i32
        %add3A_222 = arith.addi %while3A_206, %add3A_221 : i32
        %get3A_223 = arith.index_cast %add3A_222 : i32 to index
        %get3A_224 = tpu.vector_load %arg5[%get3A_223] {strides = array<i32>} : memref<1040xf32, #tpu.memory_space<vmem>>, vector<16xf32>,
        %add3A_225 = arith.constant 16 : i32
        %add3A_226 = arith.addi %while3A_205, %add3A_225 : i32
        %swap3A_227 = arith.index_cast %add3A_226 : i32 to index
        %swap3A_228 = tpu.vector_load %arg7[%swap3A_227] {strides = array<i32>} : memref<16400xf32, #tpu.memory_space<vmem>>, vector<16xf32>,
        tpu.vector_store %arg7[%swap3A_227], %get3A_224 {strides = array<i32>} : memref<16400xf32, #tpu.memory_space<vmem>>, vector<16xf32>,
        %add3A_229 = arith.constant 32 : i32
        %add3A_230 = arith.addi %while3A_205, %add3A_229 : i32
        %swap3A_231 = arith.index_cast %add3A_230 : i32 to index
        %swap3A_232 = tpu.vector_load %arg6[%swap3A_231] {strides = array<i32>} : memref<16400xf32, #tpu.memory_space<vmem>>, vector<16xf32>,
        tpu.vector_store %arg6[%swap3A_231], %gather3A {strides = array<i32>} : memref<16400xf32, #tpu.memory_space<vmem>>, vector<16xf32>,
        %add3A_233 = arith.constant 32 : i32
        %add3A_234 = arith.addi %while3A_206, %add3A_233 : i32
        %get3A_235 = arith.index_cast %add3A_234 : i32 to index
        %get3A_236 = tpu.vector_load %arg5[%get3A_235] {strides = array<i32>} : memref<1040xf32, #tpu.memory_space<vmem>>, vector<16xf32>,
        %add3A_237 = arith.constant 32 : i32
        %add3A_238 = arith.addi %while3A_205, %add3A_237 : i32
        %swap3A_239 = arith.index_cast %add3A_238 : i32 to index
        %swap3A_240 = tpu.vector_load %arg7[%swap3A_239] {strides = array<i32>} : memref<16400xf32, #tpu.memory_space<vmem>>, vector<16xf32>,
        tpu.vector_store %arg7[%swap3A_239], %get3A_236 {strides = array<i32>} : memref<16400xf32, #tpu.memory_space<vmem>>, vector<16xf32>,
        %add3A_241 = arith.constant 48 : i32
        %add3A_242 = arith.addi %while3A_205, %add3A_241 : i32
        %swap3A_243 = arith.index_cast %add3A_242 : i32 to index
        %swap3A_244 = tpu.vector_load %arg6[%swap3A_243] {strides = array<i32>} : memref<16400xf32, #tpu.memory_space<vmem>>, vector<16xf32>,
        tpu.vector_store %arg6[%swap3A_243], %gather3A {strides = array<i32>} : memref<16400xf32, #tpu.memory_space<vmem>>, vector<16xf32>,
        %add3A_245 = arith.constant 48 : i32
        %add3A_246 = arith.addi %while3A_206, %add3A_245 : i32
        %get3A_247 = arith.index_cast %add3A_246 : i32 to index
        %get3A_248 = tpu.vector_load %arg5[%get3A_247] {strides = array<i32>} : memref<1040xf32, #tpu.memory_space<vmem>>, vector<16xf32>,
        %add3A_249 = arith.constant 48 : i32
        %add3A_250 = arith.addi %while3A_205, %add3A_249 : i32
        %swap3A_251 = arith.index_cast %add3A_250 : i32 to index
        %swap3A_252 = tpu.vector_load %arg7[%swap3A_251] {strides = array<i32>} : memref<16400xf32, #tpu.memory_space<vmem>>, vector<16xf32>,
        tpu.vector_store %arg7[%swap3A_251], %get3A_248 {strides = array<i32>} : memref<16400xf32, #tpu.memory_space<vmem>>, vector<16xf32>,
        %add3A_253 = arith.constant 64 : i32
        %add3A_254 = arith.addi %while3A_205, %add3A_253 : i32
        %swap3A_255 = arith.index_cast %add3A_254 : i32 to index
        %swap3A_256 = tpu.vector_load %arg6[%swap3A_255] {strides = array<i32>} : memref<16400xf32, #tpu.memory_space<vmem>>, vector<16xf32>,
        tpu.vector_store %arg6[%swap3A_255], %gather3A {strides = array<i32>} : memref<16400xf32, #tpu.memory_space<vmem>>, vector<16xf32>,
        %add3A_257 = arith.constant 64 : i32
        %add3A_258 = arith.addi %while3A_206, %add3A_257 : i32
        %get3A_259 = arith.index_cast %add3A_258 : i32 to index
        %get3A_260 = tpu.vector_load %arg5[%get3A_259] {strides = array<i32>} : memref<1040xf32, #tpu.memory_space<vmem>>, vector<16xf32>,
        %add3A_261 = arith.constant 64 : i32
        %add3A_262 = arith.addi %while3A_205, %add3A_261 : i32
        %swap3A_263 = arith.index_cast %add3A_262 : i32 to index
        %swap3A_264 = tpu.vector_load %arg7[%swap3A_263] {strides = array<i32>} : memref<16400xf32, #tpu.memory_space<vmem>>, vector<16xf32>,
        tpu.vector_store %arg7[%swap3A_263], %get3A_260 {strides = array<i32>} : memref<16400xf32, #tpu.memory_space<vmem>>, vector<16xf32>,
        %add3A_265 = arith.constant 80 : i32
        %add3A_266 = arith.addi %while3A_205, %add3A_265 : i32
        %swap3A_267 = arith.index_cast %add3A_266 : i32 to index
        %swap3A_268 = tpu.vector_load %arg6[%swap3A_267] {strides = array<i32>} : memref<16400xf32, #tpu.memory_space<vmem>>, vector<16xf32>,
        tpu.vector_store %arg6[%swap3A_267], %gather3A {strides = array<i32>} : memref<16400xf32, #tpu.memory_space<vmem>>, vector<16xf32>,
        %add3A_269 = arith.constant 80 : i32
        %add3A_270 = arith.addi %while3A_206, %add3A_269 : i32
        %get3A_271 = arith.index_cast %add3A_270 : i32 to index
        %get3A_272 = tpu.vector_load %arg5[%get3A_271] {strides = array<i32>} : memref<1040xf32, #tpu.memory_space<vmem>>, vector<16xf32>,
        %add3A_273 = arith.constant 80 : i32
        %add3A_274 = arith.addi %while3A_205, %add3A_273 : i32
        %swap3A_275 = arith.index_cast %add3A_274 : i32 to index
        %swap3A_276 = tpu.vector_load %arg7[%swap3A_275] {strides = array<i32>} : memref<16400xf32, #tpu.memory_space<vmem>>, vector<16xf32>,
        tpu.vector_store %arg7[%swap3A_275], %get3A_272 {strides = array<i32>} : memref<16400xf32, #tpu.memory_space<vmem>>, vector<16xf32>,
        %add3A_277 = arith.constant 96 : i32
        %add3A_278 = arith.addi %while3A_205, %add3A_277 : i32
        %swap3A_279 = arith.index_cast %add3A_278 : i32 to index
        %swap3A_280 = tpu.vector_load %arg6[%swap3A_279] {strides = array<i32>} : memref<16400xf32, #tpu.memory_space<vmem>>, vector<16xf32>,
        tpu.vector_store %arg6[%swap3A_279], %gather3A {strides = array<i32>} : memref<16400xf32, #tpu.memory_space<vmem>>, vector<16xf32>,
        %add3A_281 = arith.constant 96 : i32
        %add3A_282 = arith.addi %while3A_206, %add3A_281 : i32
        %get3A_283 = arith.index_cast %add3A_282 : i32 to index
        %get3A_284 = tpu.vector_load %arg5[%get3A_283] {strides = array<i32>} : memref<1040xf32, #tpu.memory_space<vmem>>, vector<16xf32>,
        %add3A_285 = arith.constant 96 : i32
        %add3A_286 = arith.addi %while3A_205, %add3A_285 : i32
        %swap3A_287 = arith.index_cast %add3A_286 : i32 to index
        %swap3A_288 = tpu.vector_load %arg7[%swap3A_287] {strides = array<i32>} : memref<16400xf32, #tpu.memory_space<vmem>>, vector<16xf32>,
        tpu.vector_store %arg7[%swap3A_287], %get3A_284 {strides = array<i32>} : memref<16400xf32, #tpu.memory_space<vmem>>, vector<16xf32>,
        %add3A_289 = arith.constant 112 : i32
        %add3A_290 = arith.addi %while3A_205, %add3A_289 : i32
        %swap3A_291 = arith.index_cast %add3A_290 : i32 to index
        %swap3A_292 = tpu.vector_load %arg6[%swap3A_291] {strides = array<i32>} : memref<16400xf32, #tpu.memory_space<vmem>>, vector<16xf32>,
        tpu.vector_store %arg6[%swap3A_291], %gather3A {strides = array<i32>} : memref<16400xf32, #tpu.memory_space<vmem>>, vector<16xf32>,
        %add3A_293 = arith.constant 112 : i32
        %add3A_294 = arith.addi %while3A_206, %add3A_293 : i32
        %get3A_295 = arith.index_cast %add3A_294 : i32 to index
        %get3A_296 = tpu.vector_load %arg5[%get3A_295] {strides = array<i32>} : memref<1040xf32, #tpu.memory_space<vmem>>, vector<16xf32>,
        %add3A_297 = arith.constant 112 : i32
        %add3A_298 = arith.addi %while3A_205, %add3A_297 : i32
        %swap3A_299 = arith.index_cast %add3A_298 : i32 to index
        %swap3A_300 = tpu.vector_load %arg7[%swap3A_299] {strides = array<i32>} : memref<16400xf32, #tpu.memory_space<vmem>>, vector<16xf32>,
        tpu.vector_store %arg7[%swap3A_299], %get3A_296 {strides = array<i32>} : memref<16400xf32, #tpu.memory_space<vmem>>, vector<16xf32>,
        %add3A_301 = arith.constant 128 : i32
        %add3A_302 = arith.addi %while3A_205, %add3A_301 : i32
        %add3A_303 = arith.constant 128 : i32
        %add3A_304 = arith.addi %while3A_206, %add3A_303 : i32
        scf.yield %add3A_302, %add3A_304 : i32, i32
      }
      %while3A_173 = arith.constant 1 : i32
      %while3A_174:2 = scf.for %while3A_204 = %while3A_170 to %while3A_166 step %while3A_173 iter_args(%while3A_205 = %while3A_172#0, %while3A_206 = %while3A_172#1) -> (i32, i32)  : i32 {
        %add3A_207 = arith.constant 0 : i32
        %add3A_208 = arith.addi %while3A_205, %add3A_207 : i32
        %swap3A = arith.index_cast %add3A_208 : i32 to index
        %swap3A_209 = tpu.vector_load %arg6[%swap3A] {strides = array<i32>} : memref<16400xf32, #tpu.memory_space<vmem>>, vector<16xf32>,
        tpu.vector_store %arg6[%swap3A], %gather3A {strides = array<i32>} : memref<16400xf32, #tpu.memory_space<vmem>>, vector<16xf32>,
        %add3A_210 = arith.constant 0 : i32
        %add3A_211 = arith.addi %while3A_206, %add3A_210 : i32
        %get3A = arith.index_cast %add3A_211 : i32 to index
        %get3A_212 = tpu.vector_load %arg5[%get3A] {strides = array<i32>} : memref<1040xf32, #tpu.memory_space<vmem>>, vector<16xf32>,
        %add3A_213 = arith.constant 0 : i32
        %add3A_214 = arith.addi %while3A_205, %add3A_213 : i32
        %swap3A_215 = arith.index_cast %add3A_214 : i32 to index
        %swap3A_216 = tpu.vector_load %arg7[%swap3A_215] {strides = array<i32>} : memref<16400xf32, #tpu.memory_space<vmem>>, vector<16xf32>,
        tpu.vector_store %arg7[%swap3A_215], %get3A_212 {strides = array<i32>} : memref<16400xf32, #tpu.memory_space<vmem>>, vector<16xf32>,
        %add3A_217 = arith.constant 16 : i32
        %add3A_218 = arith.addi %while3A_205, %add3A_217 : i32
        %swap3A_219 = arith.index_cast %add3A_218 : i32 to index
        %swap3A_220 = tpu.vector_load %arg6[%swap3A_219] {strides = array<i32>} : memref<16400xf32, #tpu.memory_space<vmem>>, vector<16xf32>,
        tpu.vector_store %arg6[%swap3A_219], %gather3A {strides = array<i32>} : memref<16400xf32, #tpu.memory_space<vmem>>, vector<16xf32>,
        %add3A_221 = arith.constant 16 : i32
        %add3A_222 = arith.addi %while3A_206, %add3A_221 : i32
        %get3A_223 = arith.index_cast %add3A_222 : i32 to index
        %get3A_224 = tpu.vector_load %arg5[%get3A_223] {strides = array<i32>} : memref<1040xf32, #tpu.memory_space<vmem>>, vector<16xf32>,
        %add3A_225 = arith.constant 16 : i32
        %add3A_226 = arith.addi %while3A_205, %add3A_225 : i32
        %swap3A_227 = arith.index_cast %add3A_226 : i32 to index
        %swap3A_228 = tpu.vector_load %arg7[%swap3A_227] {strides = array<i32>} : memref<16400xf32, #tpu.memory_space<vmem>>, vector<16xf32>,
        tpu.vector_store %arg7[%swap3A_227], %get3A_224 {strides = array<i32>} : memref<16400xf32, #tpu.memory_space<vmem>>, vector<16xf32>,
        %add3A_229 = arith.constant 32 : i32
        %add3A_230 = arith.addi %while3A_205, %add3A_229 : i32
        %swap3A_231 = arith.index_cast %add3A_230 : i32 to index
        %swap3A_232 = tpu.vector_load %arg6[%swap3A_231] {strides = array<i32>} : memref<16400xf32, #tpu.memory_space<vmem>>, vector<16xf32>,
        tpu.vector_store %arg6[%swap3A_231], %gather3A {strides = array<i32>} : memref<16400xf32, #tpu.memory_space<vmem>>, vector<16xf32>,
        %add3A_233 = arith.constant 32 : i32
        %add3A_234 = arith.addi %while3A_206, %add3A_233 : i32
        %get3A_235 = arith.index_cast %add3A_234 : i32 to index
        %get3A_236 = tpu.vector_load %arg5[%get3A_235] {strides = array<i32>} : memref<1040xf32, #tpu.memory_space<vmem>>, vector<16xf32>,
        %add3A_237 = arith.constant 32 : i32
        %add3A_238 = arith.addi %while3A_205, %add3A_237 : i32
        %swap3A_239 = arith.index_cast %add3A_238 : i32 to index
        %swap3A_240 = tpu.vector_load %arg7[%swap3A_239] {strides = array<i32>} : memref<16400xf32, #tpu.memory_space<vmem>>, vector<16xf32>,
        tpu.vector_store %arg7[%swap3A_239], %get3A_236 {strides = array<i32>} : memref<16400xf32, #tpu.memory_space<vmem>>, vector<16xf32>,
        %add3A_241 = arith.constant 48 : i32
        %add3A_242 = arith.addi %while3A_205, %add3A_241 : i32
        %swap3A_243 = arith.index_cast %add3A_242 : i32 to index
        %swap3A_244 = tpu.vector_load %arg6[%swap3A_243] {strides = array<i32>} : memref<16400xf32, #tpu.memory_space<vmem>>, vector<16xf32>,
        tpu.vector_store %arg6[%swap3A_243], %gather3A {strides = array<i32>} : memref<16400xf32, #tpu.memory_space<vmem>>, vector<16xf32>,
        %add3A_245 = arith.constant 48 : i32
        %add3A_246 = arith.addi %while3A_206, %add3A_245 : i32
        %get3A_247 = arith.index_cast %add3A_246 : i32 to index
        %get3A_248 = tpu.vector_load %arg5[%get3A_247] {strides = array<i32>} : memref<1040xf32, #tpu.memory_space<vmem>>, vector<16xf32>,
        %add3A_249 = arith.constant 48 : i32
        %add3A_250 = arith.addi %while3A_205, %add3A_249 : i32
        %swap3A_251 = arith.index_cast %add3A_250 : i32 to index
        %swap3A_252 = tpu.vector_load %arg7[%swap3A_251] {strides = array<i32>} : memref<16400xf32, #tpu.memory_space<vmem>>, vector<16xf32>,
        tpu.vector_store %arg7[%swap3A_251], %get3A_248 {strides = array<i32>} : memref<16400xf32, #tpu.memory_space<vmem>>, vector<16xf32>,
        %add3A_253 = arith.constant 64 : i32
        %add3A_254 = arith.addi %while3A_205, %add3A_253 : i32
        %swap3A_255 = arith.index_cast %add3A_254 : i32 to index
        %swap3A_256 = tpu.vector_load %arg6[%swap3A_255] {strides = array<i32>} : memref<16400xf32, #tpu.memory_space<vmem>>, vector<16xf32>,
        tpu.vector_store %arg6[%swap3A_255], %gather3A {strides = array<i32>} : memref<16400xf32, #tpu.memory_space<vmem>>, vector<16xf32>,
        %add3A_257 = arith.constant 64 : i32
        %add3A_258 = arith.addi %while3A_206, %add3A_257 : i32
        %get3A_259 = arith.index_cast %add3A_258 : i32 to index
        %get3A_260 = tpu.vector_load %arg5[%get3A_259] {strides = array<i32>} : memref<1040xf32, #tpu.memory_space<vmem>>, vector<16xf32>,
        %add3A_261 = arith.constant 64 : i32
        %add3A_262 = arith.addi %while3A_205, %add3A_261 : i32
        %swap3A_263 = arith.index_cast %add3A_262 : i32 to index
        %swap3A_264 = tpu.vector_load %arg7[%swap3A_263] {strides = array<i32>} : memref<16400xf32, #tpu.memory_space<vmem>>, vector<16xf32>,
        tpu.vector_store %arg7[%swap3A_263], %get3A_260 {strides = array<i32>} : memref<16400xf32, #tpu.memory_space<vmem>>, vector<16xf32>,
        %add3A_265 = arith.constant 80 : i32
        %add3A_266 = arith.addi %while3A_205, %add3A_265 : i32
        %swap3A_267 = arith.index_cast %add3A_266 : i32 to index
        %swap3A_268 = tpu.vector_load %arg6[%swap3A_267] {strides = array<i32>} : memref<16400xf32, #tpu.memory_space<vmem>>, vector<16xf32>,
        tpu.vector_store %arg6[%swap3A_267], %gather3A {strides = array<i32>} : memref<16400xf32, #tpu.memory_space<vmem>>, vector<16xf32>,
        %add3A_269 = arith.constant 80 : i32
        %add3A_270 = arith.addi %while3A_206, %add3A_269 : i32
        %get3A_271 = arith.index_cast %add3A_270 : i32 to index
        %get3A_272 = tpu.vector_load %arg5[%get3A_271] {strides = array<i32>} : memref<1040xf32, #tpu.memory_space<vmem>>, vector<16xf32>,
        %add3A_273 = arith.constant 80 : i32
        %add3A_274 = arith.addi %while3A_205, %add3A_273 : i32
        %swap3A_275 = arith.index_cast %add3A_274 : i32 to index
        %swap3A_276 = tpu.vector_load %arg7[%swap3A_275] {strides = array<i32>} : memref<16400xf32, #tpu.memory_space<vmem>>, vector<16xf32>,
        tpu.vector_store %arg7[%swap3A_275], %get3A_272 {strides = array<i32>} : memref<16400xf32, #tpu.memory_space<vmem>>, vector<16xf32>,
        %add3A_277 = arith.constant 96 : i32
        %add3A_278 = arith.addi %while3A_205, %add3A_277 : i32
        %swap3A_279 = arith.index_cast %add3A_278 : i32 to index
        %swap3A_280 = tpu.vector_load %arg6[%swap3A_279] {strides = array<i32>} : memref<16400xf32, #tpu.memory_space<vmem>>, vector<16xf32>,
        tpu.vector_store %arg6[%swap3A_279], %gather3A {strides = array<i32>} : memref<16400xf32, #tpu.memory_space<vmem>>, vector<16xf32>,
        %add3A_281 = arith.constant 96 : i32
        %add3A_282 = arith.addi %while3A_206, %add3A_281 : i32
        %get3A_283 = arith.index_cast %add3A_282 : i32 to index
        %get3A_284 = tpu.vector_load %arg5[%get3A_283] {strides = array<i32>} : memref<1040xf32, #tpu.memory_space<vmem>>, vector<16xf32>,
        %add3A_285 = arith.constant 96 : i32
        %add3A_286 = arith.addi %while3A_205, %add3A_285 : i32
        %swap3A_287 = arith.index_cast %add3A_286 : i32 to index
        %swap3A_288 = tpu.vector_load %arg7[%swap3A_287] {strides = array<i32>} : memref<16400xf32, #tpu.memory_space<vmem>>, vector<16xf32>,
        tpu.vector_store %arg7[%swap3A_287], %get3A_284 {strides = array<i32>} : memref<16400xf32, #tpu.memory_space<vmem>>, vector<16xf32>,
        %add3A_289 = arith.constant 112 : i32
        %add3A_290 = arith.addi %while3A_205, %add3A_289 : i32
        %swap3A_291 = arith.index_cast %add3A_290 : i32 to index
        %swap3A_292 = tpu.vector_load %arg6[%swap3A_291] {strides = array<i32>} : memref<16400xf32, #tpu.memory_space<vmem>>, vector<16xf32>,
        tpu.vector_store %arg6[%swap3A_291], %gather3A {strides = array<i32>} : memref<16400xf32, #tpu.memory_space<vmem>>, vector<16xf32>,
        %add3A_293 = arith.constant 112 : i32
        %add3A_294 = arith.addi %while3A_206, %add3A_293 : i32
        %get3A_295 = arith.index_cast %add3A_294 : i32 to index
        %get3A_296 = tpu.vector_load %arg5[%get3A_295] {strides = array<i32>} : memref<1040xf32, #tpu.memory_space<vmem>>, vector<16xf32>,
        %add3A_297 = arith.constant 112 : i32
        %add3A_298 = arith.addi %while3A_205, %add3A_297 : i32
        %swap3A_299 = arith.index_cast %add3A_298 : i32 to index
        %swap3A_300 = tpu.vector_load %arg7[%swap3A_299] {strides = array<i32>} : memref<16400xf32, #tpu.memory_space<vmem>>, vector<16xf32>,
        tpu.vector_store %arg7[%swap3A_299], %get3A_296 {strides = array<i32>} : memref<16400xf32, #tpu.memory_space<vmem>>, vector<16xf32>,
        %add3A_301 = arith.constant 128 : i32
        %add3A_302 = arith.addi %while3A_205, %add3A_301 : i32
        %add3A_303 = arith.constant 128 : i32
        %add3A_304 = arith.addi %while3A_206, %add3A_303 : i32
        scf.yield %add3A_302, %add3A_304 : i32, i32
      }
      %shift_right_arithmetic3A_175 = arith.constant 2 : i32
      %shift_right_arithmetic3A_176 = arith.shrsi %shift_right_arithmetic3A_159, %shift_right_arithmetic3A_175 : i32
      %and3A_177 = arith.constant 1 : i32
      %and3A_178 = arith.andi %shift_right_arithmetic3A_176, %and3A_177 : i32
      %while3A_179 = arith.constant 0 : i32
      %while3A_180 = arith.subi %and3A_178, %while3A_179 : i32
      %while3A_181 = arith.addi %while3A_179, %while3A_180 : i32
      %while3A_182 = arith.constant 1 : i32
      %while3A_183 = arith.divsi %while3A_180, %while3A_182 : i32
      %while3A_184 = arith.muli %while3A_183, %while3A_182 : i32
      %while3A_185 = arith.addi %while3A_179, %while3A_184 : i32
      %while3A_186 = arith.constant 1 : i32
      %while3A_187:2 = scf.for %while3A_204 = %while3A_179 to %while3A_185 step %while3A_186 iter_args(%while3A_205 = %while3A_174#0, %while3A_206 = %while3A_174#1) -> (i32, i32)  : i32 {
        %add3A_207 = arith.constant 0 : i32
        %add3A_208 = arith.addi %while3A_205, %add3A_207 : i32
        %swap3A = arith.index_cast %add3A_208 : i32 to index
        %swap3A_209 = tpu.vector_load %arg6[%swap3A] {strides = array<i32>} : memref<16400xf32, #tpu.memory_space<vmem>>, vector<16xf32>,
        tpu.vector_store %arg6[%swap3A], %gather3A {strides = array<i32>} : memref<16400xf32, #tpu.memory_space<vmem>>, vector<16xf32>,
        %add3A_210 = arith.constant 0 : i32
        %add3A_211 = arith.addi %while3A_206, %add3A_210 : i32
        %get3A = arith.index_cast %add3A_211 : i32 to index
        %get3A_212 = tpu.vector_load %arg5[%get3A] {strides = array<i32>} : memref<1040xf32, #tpu.memory_space<vmem>>, vector<16xf32>,
        %add3A_213 = arith.constant 0 : i32
        %add3A_214 = arith.addi %while3A_205, %add3A_213 : i32
        %swap3A_215 = arith.index_cast %add3A_214 : i32 to index
        %swap3A_216 = tpu.vector_load %arg7[%swap3A_215] {strides = array<i32>} : memref<16400xf32, #tpu.memory_space<vmem>>, vector<16xf32>,
        tpu.vector_store %arg7[%swap3A_215], %get3A_212 {strides = array<i32>} : memref<16400xf32, #tpu.memory_space<vmem>>, vector<16xf32>,
        %add3A_217 = arith.constant 16 : i32
        %add3A_218 = arith.addi %while3A_205, %add3A_217 : i32
        %swap3A_219 = arith.index_cast %add3A_218 : i32 to index
        %swap3A_220 = tpu.vector_load %arg6[%swap3A_219] {strides = array<i32>} : memref<16400xf32, #tpu.memory_space<vmem>>, vector<16xf32>,
        tpu.vector_store %arg6[%swap3A_219], %gather3A {strides = array<i32>} : memref<16400xf32, #tpu.memory_space<vmem>>, vector<16xf32>,
        %add3A_221 = arith.constant 16 : i32
        %add3A_222 = arith.addi %while3A_206, %add3A_221 : i32
        %get3A_223 = arith.index_cast %add3A_222 : i32 to index
        %get3A_224 = tpu.vector_load %arg5[%get3A_223] {strides = array<i32>} : memref<1040xf32, #tpu.memory_space<vmem>>, vector<16xf32>,
        %add3A_225 = arith.constant 16 : i32
        %add3A_226 = arith.addi %while3A_205, %add3A_225 : i32
        %swap3A_227 = arith.index_cast %add3A_226 : i32 to index
        %swap3A_228 = tpu.vector_load %arg7[%swap3A_227] {strides = array<i32>} : memref<16400xf32, #tpu.memory_space<vmem>>, vector<16xf32>,
        tpu.vector_store %arg7[%swap3A_227], %get3A_224 {strides = array<i32>} : memref<16400xf32, #tpu.memory_space<vmem>>, vector<16xf32>,
        %add3A_229 = arith.constant 32 : i32
        %add3A_230 = arith.addi %while3A_205, %add3A_229 : i32
        %swap3A_231 = arith.index_cast %add3A_230 : i32 to index
        %swap3A_232 = tpu.vector_load %arg6[%swap3A_231] {strides = array<i32>} : memref<16400xf32, #tpu.memory_space<vmem>>, vector<16xf32>,
        tpu.vector_store %arg6[%swap3A_231], %gather3A {strides = array<i32>} : memref<16400xf32, #tpu.memory_space<vmem>>, vector<16xf32>,
        %add3A_233 = arith.constant 32 : i32
        %add3A_234 = arith.addi %while3A_206, %add3A_233 : i32
        %get3A_235 = arith.index_cast %add3A_234 : i32 to index
        %get3A_236 = tpu.vector_load %arg5[%get3A_235] {strides = array<i32>} : memref<1040xf32, #tpu.memory_space<vmem>>, vector<16xf32>,
        %add3A_237 = arith.constant 32 : i32
        %add3A_238 = arith.addi %while3A_205, %add3A_237 : i32
        %swap3A_239 = arith.index_cast %add3A_238 : i32 to index
        %swap3A_240 = tpu.vector_load %arg7[%swap3A_239] {strides = array<i32>} : memref<16400xf32, #tpu.memory_space<vmem>>, vector<16xf32>,
        tpu.vector_store %arg7[%swap3A_239], %get3A_236 {strides = array<i32>} : memref<16400xf32, #tpu.memory_space<vmem>>, vector<16xf32>,
        %add3A_241 = arith.constant 48 : i32
        %add3A_242 = arith.addi %while3A_205, %add3A_241 : i32
        %swap3A_243 = arith.index_cast %add3A_242 : i32 to index
        %swap3A_244 = tpu.vector_load %arg6[%swap3A_243] {strides = array<i32>} : memref<16400xf32, #tpu.memory_space<vmem>>, vector<16xf32>,
        tpu.vector_store %arg6[%swap3A_243], %gather3A {strides = array<i32>} : memref<16400xf32, #tpu.memory_space<vmem>>, vector<16xf32>,
        %add3A_245 = arith.constant 48 : i32
        %add3A_246 = arith.addi %while3A_206, %add3A_245 : i32
        %get3A_247 = arith.index_cast %add3A_246 : i32 to index
        %get3A_248 = tpu.vector_load %arg5[%get3A_247] {strides = array<i32>} : memref<1040xf32, #tpu.memory_space<vmem>>, vector<16xf32>,
        %add3A_249 = arith.constant 48 : i32
        %add3A_250 = arith.addi %while3A_205, %add3A_249 : i32
        %swap3A_251 = arith.index_cast %add3A_250 : i32 to index
        %swap3A_252 = tpu.vector_load %arg7[%swap3A_251] {strides = array<i32>} : memref<16400xf32, #tpu.memory_space<vmem>>, vector<16xf32>,
        tpu.vector_store %arg7[%swap3A_251], %get3A_248 {strides = array<i32>} : memref<16400xf32, #tpu.memory_space<vmem>>, vector<16xf32>,
        %add3A_253 = arith.constant 64 : i32
        %add3A_254 = arith.addi %while3A_205, %add3A_253 : i32
        %add3A_255 = arith.constant 64 : i32
        %add3A_256 = arith.addi %while3A_206, %add3A_255 : i32
        scf.yield %add3A_254, %add3A_256 : i32, i32
      }
      %while3A_188 = arith.constant 1 : i32
      %while3A_189:2 = scf.for %while3A_204 = %while3A_185 to %while3A_181 step %while3A_188 iter_args(%while3A_205 = %while3A_187#0, %while3A_206 = %while3A_187#1) -> (i32, i32)  : i32 {
        %add3A_207 = arith.constant 0 : i32
        %add3A_208 = arith.addi %while3A_205, %add3A_207 : i32
        %swap3A = arith.index_cast %add3A_208 : i32 to index
        %swap3A_209 = tpu.vector_load %arg6[%swap3A] {strides = array<i32>} : memref<16400xf32, #tpu.memory_space<vmem>>, vector<16xf32>,
        tpu.vector_store %arg6[%swap3A], %gather3A {strides = array<i32>} : memref<16400xf32, #tpu.memory_space<vmem>>, vector<16xf32>,
        %add3A_210 = arith.constant 0 : i32
        %add3A_211 = arith.addi %while3A_206, %add3A_210 : i32
        %get3A = arith.index_cast %add3A_211 : i32 to index
        %get3A_212 = tpu.vector_load %arg5[%get3A] {strides = array<i32>} : memref<1040xf32, #tpu.memory_space<vmem>>, vector<16xf32>,
        %add3A_213 = arith.constant 0 : i32
        %add3A_214 = arith.addi %while3A_205, %add3A_213 : i32
        %swap3A_215 = arith.index_cast %add3A_214 : i32 to index
        %swap3A_216 = tpu.vector_load %arg7[%swap3A_215] {strides = array<i32>} : memref<16400xf32, #tpu.memory_space<vmem>>, vector<16xf32>,
        tpu.vector_store %arg7[%swap3A_215], %get3A_212 {strides = array<i32>} : memref<16400xf32, #tpu.memory_space<vmem>>, vector<16xf32>,
        %add3A_217 = arith.constant 16 : i32
        %add3A_218 = arith.addi %while3A_205, %add3A_217 : i32
        %swap3A_219 = arith.index_cast %add3A_218 : i32 to index
        %swap3A_220 = tpu.vector_load %arg6[%swap3A_219] {strides = array<i32>} : memref<16400xf32, #tpu.memory_space<vmem>>, vector<16xf32>,
        tpu.vector_store %arg6[%swap3A_219], %gather3A {strides = array<i32>} : memref<16400xf32, #tpu.memory_space<vmem>>, vector<16xf32>,
        %add3A_221 = arith.constant 16 : i32
        %add3A_222 = arith.addi %while3A_206, %add3A_221 : i32
        %get3A_223 = arith.index_cast %add3A_222 : i32 to index
        %get3A_224 = tpu.vector_load %arg5[%get3A_223] {strides = array<i32>} : memref<1040xf32, #tpu.memory_space<vmem>>, vector<16xf32>,
        %add3A_225 = arith.constant 16 : i32
        %add3A_226 = arith.addi %while3A_205, %add3A_225 : i32
        %swap3A_227 = arith.index_cast %add3A_226 : i32 to index
        %swap3A_228 = tpu.vector_load %arg7[%swap3A_227] {strides = array<i32>} : memref<16400xf32, #tpu.memory_space<vmem>>, vector<16xf32>,
        tpu.vector_store %arg7[%swap3A_227], %get3A_224 {strides = array<i32>} : memref<16400xf32, #tpu.memory_space<vmem>>, vector<16xf32>,
        %add3A_229 = arith.constant 32 : i32
        %add3A_230 = arith.addi %while3A_205, %add3A_229 : i32
        %swap3A_231 = arith.index_cast %add3A_230 : i32 to index
        %swap3A_232 = tpu.vector_load %arg6[%swap3A_231] {strides = array<i32>} : memref<16400xf32, #tpu.memory_space<vmem>>, vector<16xf32>,
        tpu.vector_store %arg6[%swap3A_231], %gather3A {strides = array<i32>} : memref<16400xf32, #tpu.memory_space<vmem>>, vector<16xf32>,
        %add3A_233 = arith.constant 32 : i32
        %add3A_234 = arith.addi %while3A_206, %add3A_233 : i32
        %get3A_235 = arith.index_cast %add3A_234 : i32 to index
        %get3A_236 = tpu.vector_load %arg5[%get3A_235] {strides = array<i32>} : memref<1040xf32, #tpu.memory_space<vmem>>, vector<16xf32>,
        %add3A_237 = arith.constant 32 : i32
        %add3A_238 = arith.addi %while3A_205, %add3A_237 : i32
        %swap3A_239 = arith.index_cast %add3A_238 : i32 to index
        %swap3A_240 = tpu.vector_load %arg7[%swap3A_239] {strides = array<i32>} : memref<16400xf32, #tpu.memory_space<vmem>>, vector<16xf32>,
        tpu.vector_store %arg7[%swap3A_239], %get3A_236 {strides = array<i32>} : memref<16400xf32, #tpu.memory_space<vmem>>, vector<16xf32>,
        %add3A_241 = arith.constant 48 : i32
        %add3A_242 = arith.addi %while3A_205, %add3A_241 : i32
        %swap3A_243 = arith.index_cast %add3A_242 : i32 to index
        %swap3A_244 = tpu.vector_load %arg6[%swap3A_243] {strides = array<i32>} : memref<16400xf32, #tpu.memory_space<vmem>>, vector<16xf32>,
        tpu.vector_store %arg6[%swap3A_243], %gather3A {strides = array<i32>} : memref<16400xf32, #tpu.memory_space<vmem>>, vector<16xf32>,
        %add3A_245 = arith.constant 48 : i32
        %add3A_246 = arith.addi %while3A_206, %add3A_245 : i32
        %get3A_247 = arith.index_cast %add3A_246 : i32 to index
        %get3A_248 = tpu.vector_load %arg5[%get3A_247] {strides = array<i32>} : memref<1040xf32, #tpu.memory_space<vmem>>, vector<16xf32>,
        %add3A_249 = arith.constant 48 : i32
        %add3A_250 = arith.addi %while3A_205, %add3A_249 : i32
        %swap3A_251 = arith.index_cast %add3A_250 : i32 to index
        %swap3A_252 = tpu.vector_load %arg7[%swap3A_251] {strides = array<i32>} : memref<16400xf32, #tpu.memory_space<vmem>>, vector<16xf32>,
        tpu.vector_store %arg7[%swap3A_251], %get3A_248 {strides = array<i32>} : memref<16400xf32, #tpu.memory_space<vmem>>, vector<16xf32>,
        %add3A_253 = arith.constant 64 : i32
        %add3A_254 = arith.addi %while3A_205, %add3A_253 : i32
        %add3A_255 = arith.constant 64 : i32
        %add3A_256 = arith.addi %while3A_206, %add3A_255 : i32
        scf.yield %add3A_254, %add3A_256 : i32, i32
      }
      %and3A_190 = arith.constant 3 : i32
      %and3A_191 = arith.andi %shift_right_arithmetic3A_159, %and3A_190 : i32
      %while3A_192 = arith.constant 0 : i32
      %while3A_193 = arith.subi %and3A_191, %while3A_192 : i32
      %while3A_194 = arith.addi %while3A_192, %while3A_193 : i32
      %while3A_195 = arith.constant 1 : i32
      %while3A_196 = arith.divsi %while3A_193, %while3A_195 : i32
      %while3A_197 = arith.muli %while3A_196, %while3A_195 : i32
      %while3A_198 = arith.addi %while3A_192, %while3A_197 : i32
      %while3A_199 = arith.constant 1 : i32
      %while3A_200:2 = scf.for %while3A_204 = %while3A_192 to %while3A_198 step %while3A_199 iter_args(%while3A_205 = %while3A_189#0, %while3A_206 = %while3A_189#1) -> (i32, i32)  : i32 {
        %swap3A = arith.index_cast %while3A_205 : i32 to index
        %swap3A_207 = tpu.vector_load %arg6[%swap3A] {strides = array<i32>} : memref<16400xf32, #tpu.memory_space<vmem>>, vector<16xf32>,
        tpu.vector_store %arg6[%swap3A], %gather3A {strides = array<i32>} : memref<16400xf32, #tpu.memory_space<vmem>>, vector<16xf32>,
        %get3A = arith.index_cast %while3A_206 : i32 to index
        %get3A_208 = tpu.vector_load %arg5[%get3A] {strides = array<i32>} : memref<1040xf32, #tpu.memory_space<vmem>>, vector<16xf32>,
        %swap3A_209 = arith.index_cast %while3A_205 : i32 to index
        %swap3A_210 = tpu.vector_load %arg7[%swap3A_209] {strides = array<i32>} : memref<16400xf32, #tpu.memory_space<vmem>>, vector<16xf32>,
        tpu.vector_store %arg7[%swap3A_209], %get3A_208 {strides = array<i32>} : memref<16400xf32, #tpu.memory_space<vmem>>, vector<16xf32>,
        %add3A_211 = arith.constant 16 : i32
        %add3A_212 = arith.addi %while3A_205, %add3A_211 : i32
        %add3A_213 = arith.constant 16 : i32
        %add3A_214 = arith.addi %while3A_206, %add3A_213 : i32
        scf.yield %add3A_212, %add3A_214 : i32, i32
      }
      %while3A_201 = arith.constant 1 : i32
      %while3A_202:2 = scf.for %while3A_204 = %while3A_198 to %while3A_194 step %while3A_201 iter_args(%while3A_205 = %while3A_200#0, %while3A_206 = %while3A_200#1) -> (i32, i32)  : i32 {
        %swap3A = arith.index_cast %while3A_205 : i32 to index
        %swap3A_207 = tpu.vector_load %arg6[%swap3A] {strides = array<i32>} : memref<16400xf32, #tpu.memory_space<vmem>>, vector<16xf32>,
        tpu.vector_store %arg6[%swap3A], %gather3A {strides = array<i32>} : memref<16400xf32, #tpu.memory_space<vmem>>, vector<16xf32>,
        %get3A = arith.index_cast %while3A_206 : i32 to index
        %get3A_208 = tpu.vector_load %arg5[%get3A] {strides = array<i32>} : memref<1040xf32, #tpu.memory_space<vmem>>, vector<16xf32>,
        %swap3A_209 = arith.index_cast %while3A_205 : i32 to index
        %swap3A_210 = tpu.vector_load %arg7[%swap3A_209] {strides = array<i32>} : memref<16400xf32, #tpu.memory_space<vmem>>, vector<16xf32>,
        tpu.vector_store %arg7[%swap3A_209], %get3A_208 {strides = array<i32>} : memref<16400xf32, #tpu.memory_space<vmem>>, vector<16xf32>,
        %add3A_211 = arith.constant 16 : i32
        %add3A_212 = arith.addi %while3A_205, %add3A_211 : i32
        %add3A_213 = arith.constant 16 : i32
        %add3A_214 = arith.addi %while3A_206, %add3A_213 : i32
        scf.yield %add3A_212, %add3A_214 : i32, i32
      }
      %add3A_203 = arith.addi %scan3A_152, %sub3A_155 : i32
      scf.yield %add3A_203 : i32
    }
    %scan3A_88 = arith.constant 16 : i32
    %add3A_89 = arith.constant 16 : i32
    %add3A_90 = arith.addi %sub3A_17, %add3A_89 : i32
    %shift_right_arithmetic3A_91 = arith.constant 3 : i32
    %shift_right_arithmetic3A_92 = arith.shrsi %add3A, %shift_right_arithmetic3A_91 : i32
    %and3A_93 = arith.constant 7 : i32
    %and3A_94 = arith.andi %add3A, %and3A_93 : i32
    %while3A_95 = arith.constant 0 : i32
    %while3A_96 = arith.constant 0 : i32
    %while3A_97 = arith.subi %shift_right_arithmetic3A_92, %while3A_96 : i32
    %while3A_98 = arith.addi %while3A_96, %while3A_97 : i32
    %while3A_99 = arith.constant 1 : i32
    %while3A_100 = arith.divsi %while3A_97, %while3A_99 : i32
    %while3A_101 = arith.muli %while3A_100, %while3A_99 : i32
    %while3A_102 = arith.addi %while3A_96, %while3A_101 : i32
    %while3A_103 = arith.constant 1 : i32
    scf.for %while3A_151 = %while3A_96 to %while3A_102 step %while3A_103  : i32 {
      %mul3A_152 = arith.constant 2048 : i32
      %mul3A_153 = arith.muli %while3A_151, %mul3A_152 : i32
      %add3A_154 = arith.addi %add3A_90, %mul3A_153 : i32
      %add3A_155 = arith.addi %mul3A_33, %mul3A_153 : i32
      %multiple_of3A_156 = tpu.assume_multiple %add3A_154, 8 : i32
      %multiple_of3A_157 = tpu.assume_multiple %add3A_155, 8 : i32
      %dma_start3A_158 = tpu.memref_slice %arg6[%multiple_of3A_156] : memref<16400xf32, #tpu.memory_space<vmem>> -> memref<2048xf32, #tpu.memory_space<vmem>>
      %dma_start3A_159 = tpu.memref_slice %arg3[%multiple_of3A_157] : memref<523776xf32, #tpu.memory_space<hbm>> -> memref<2048xf32, #tpu.memory_space<hbm>>
      %dma_start3A_160 = tpu.memref_slice %arg3[%multiple_of3A_157] : memref<523776xf32, #tpu.memory_space<hbm>> -> memref<2048xf32, #tpu.memory_space<hbm>>
      %dma_start3A_161 = tpu.memref_slice %arg6[%multiple_of3A_156] : memref<16400xf32, #tpu.memory_space<vmem>> -> memref<2048xf32, #tpu.memory_space<vmem>>
      tpu.enqueue_dma source(%dma_start3A_161 : memref<2048xf32, #tpu.memory_space<vmem>>) target(%dma_start3A_160 : memref<2048xf32, #tpu.memory_space<hbm>>) target_semaphore(%arg9 : memref<!tpu.dma_semaphore, #tpu.memory_space<semaphore_mem>>)
      %add3A_162 = arith.addi %add3A_90, %mul3A_153 : i32
      %add3A_163 = arith.addi %mul3A_33, %mul3A_153 : i32
      %multiple_of3A_164 = tpu.assume_multiple %add3A_162, 8 : i32
      %multiple_of3A_165 = tpu.assume_multiple %add3A_163, 8 : i32
      %dma_start3A_166 = tpu.memref_slice %arg7[%multiple_of3A_164] : memref<16400xf32, #tpu.memory_space<vmem>> -> memref<2048xf32, #tpu.memory_space<vmem>>
      %dma_start3A_167 = tpu.memref_slice %arg4[%multiple_of3A_165] : memref<523776xf32, #tpu.memory_space<hbm>> -> memref<2048xf32, #tpu.memory_space<hbm>>
      %dma_start3A_168 = tpu.memref_slice %arg4[%multiple_of3A_165] : memref<523776xf32, #tpu.memory_space<hbm>> -> memref<2048xf32, #tpu.memory_space<hbm>>
      %dma_start3A_169 = tpu.memref_slice %arg7[%multiple_of3A_164] : memref<16400xf32, #tpu.memory_space<vmem>> -> memref<2048xf32, #tpu.memory_space<vmem>>
      tpu.enqueue_dma source(%dma_start3A_169 : memref<2048xf32, #tpu.memory_space<vmem>>) target(%dma_start3A_168 : memref<2048xf32, #tpu.memory_space<hbm>>) target_semaphore(%arg9 : memref<!tpu.dma_semaphore, #tpu.memory_space<semaphore_mem>>)
    }
    %while3A_104 = arith.constant 1 : i32
    scf.for %while3A_151 = %while3A_102 to %while3A_98 step %while3A_104  : i32 {
      %mul3A_152 = arith.constant 2048 : i32
      %mul3A_153 = arith.muli %while3A_151, %mul3A_152 : i32
      %add3A_154 = arith.addi %add3A_90, %mul3A_153 : i32
      %add3A_155 = arith.addi %mul3A_33, %mul3A_153 : i32
      %multiple_of3A_156 = tpu.assume_multiple %add3A_154, 8 : i32
      %multiple_of3A_157 = tpu.assume_multiple %add3A_155, 8 : i32
      %dma_start3A_158 = tpu.memref_slice %arg6[%multiple_of3A_156] : memref<16400xf32, #tpu.memory_space<vmem>> -> memref<2048xf32, #tpu.memory_space<vmem>>
      %dma_start3A_159 = tpu.memref_slice %arg3[%multiple_of3A_157] : memref<523776xf32, #tpu.memory_space<hbm>> -> memref<2048xf32, #tpu.memory_space<hbm>>
      %dma_start3A_160 = tpu.memref_slice %arg3[%multiple_of3A_157] : memref<523776xf32, #tpu.memory_space<hbm>> -> memref<2048xf32, #tpu.memory_space<hbm>>
      %dma_start3A_161 = tpu.memref_slice %arg6[%multiple_of3A_156] : memref<16400xf32, #tpu.memory_space<vmem>> -> memref<2048xf32, #tpu.memory_space<vmem>>
      tpu.enqueue_dma source(%dma_start3A_161 : memref<2048xf32, #tpu.memory_space<vmem>>) target(%dma_start3A_160 : memref<2048xf32, #tpu.memory_space<hbm>>) target_semaphore(%arg9 : memref<!tpu.dma_semaphore, #tpu.memory_space<semaphore_mem>>)
      %add3A_162 = arith.addi %add3A_90, %mul3A_153 : i32
      %add3A_163 = arith.addi %mul3A_33, %mul3A_153 : i32
      %multiple_of3A_164 = tpu.assume_multiple %add3A_162, 8 : i32
      %multiple_of3A_165 = tpu.assume_multiple %add3A_163, 8 : i32
      %dma_start3A_166 = tpu.memref_slice %arg7[%multiple_of3A_164] : memref<16400xf32, #tpu.memory_space<vmem>> -> memref<2048xf32, #tpu.memory_space<vmem>>
      %dma_start3A_167 = tpu.memref_slice %arg4[%multiple_of3A_165] : memref<523776xf32, #tpu.memory_space<hbm>> -> memref<2048xf32, #tpu.memory_space<hbm>>
      %dma_start3A_168 = tpu.memref_slice %arg4[%multiple_of3A_165] : memref<523776xf32, #tpu.memory_space<hbm>> -> memref<2048xf32, #tpu.memory_space<hbm>>
      %dma_start3A_169 = tpu.memref_slice %arg7[%multiple_of3A_164] : memref<16400xf32, #tpu.memory_space<vmem>> -> memref<2048xf32, #tpu.memory_space<vmem>>
      tpu.enqueue_dma source(%dma_start3A_169 : memref<2048xf32, #tpu.memory_space<vmem>>) target(%dma_start3A_168 : memref<2048xf32, #tpu.memory_space<hbm>>) target_semaphore(%arg9 : memref<!tpu.dma_semaphore, #tpu.memory_space<semaphore_mem>>)
    }
    %shift_left3A_105 = arith.constant 11 : i32
    %shift_left3A_106 = arith.shli %shift_right_arithmetic3A_92, %shift_left3A_105 : i32
    %while3A_107 = arith.constant 0 : i32
    %while3A_108 = arith.constant 0 : i32
    %while3A_109 = arith.subi %and3A_94, %while3A_108 : i32
    %while3A_110 = arith.addi %while3A_108, %while3A_109 : i32
    %while3A_111 = arith.constant 1 : i32
    %while3A_112 = arith.divsi %while3A_109, %while3A_111 : i32
    %while3A_113 = arith.muli %while3A_112, %while3A_111 : i32
    %while3A_114 = arith.addi %while3A_108, %while3A_113 : i32
    %while3A_115 = arith.constant 1 : i32
    scf.for %while3A_151 = %while3A_108 to %while3A_114 step %while3A_115  : i32 {
      %mul3A_152 = arith.constant 256 : i32
      %mul3A_153 = arith.muli %while3A_151, %mul3A_152 : i32
      %add3A_154 = arith.addi %shift_left3A_106, %mul3A_153 : i32
      %add3A_155 = arith.addi %add3A_90, %add3A_154 : i32
      %add3A_156 = arith.addi %mul3A_33, %add3A_154 : i32
      %multiple_of3A_157 = tpu.assume_multiple %add3A_155, 8 : i32
      %multiple_of3A_158 = tpu.assume_multiple %add3A_156, 8 : i32
      %dma_start3A_159 = tpu.memref_slice %arg6[%multiple_of3A_157] : memref<16400xf32, #tpu.memory_space<vmem>> -> memref<256xf32, #tpu.memory_space<vmem>>
      %dma_start3A_160 = tpu.memref_slice %arg3[%multiple_of3A_158] : memref<523776xf32, #tpu.memory_space<hbm>> -> memref<256xf32, #tpu.memory_space<hbm>>
      %dma_start3A_161 = tpu.memref_slice %arg3[%multiple_of3A_158] : memref<523776xf32, #tpu.memory_space<hbm>> -> memref<256xf32, #tpu.memory_space<hbm>>
      %dma_start3A_162 = tpu.memref_slice %arg6[%multiple_of3A_157] : memref<16400xf32, #tpu.memory_space<vmem>> -> memref<256xf32, #tpu.memory_space<vmem>>
      tpu.enqueue_dma source(%dma_start3A_162 : memref<256xf32, #tpu.memory_space<vmem>>) target(%dma_start3A_161 : memref<256xf32, #tpu.memory_space<hbm>>) target_semaphore(%arg9 : memref<!tpu.dma_semaphore, #tpu.memory_space<semaphore_mem>>)
      %add3A_163 = arith.addi %add3A_90, %add3A_154 : i32
      %add3A_164 = arith.addi %mul3A_33, %add3A_154 : i32
      %multiple_of3A_165 = tpu.assume_multiple %add3A_163, 8 : i32
      %multiple_of3A_166 = tpu.assume_multiple %add3A_164, 8 : i32
      %dma_start3A_167 = tpu.memref_slice %arg7[%multiple_of3A_165] : memref<16400xf32, #tpu.memory_space<vmem>> -> memref<256xf32, #tpu.memory_space<vmem>>
      %dma_start3A_168 = tpu.memref_slice %arg4[%multiple_of3A_166] : memref<523776xf32, #tpu.memory_space<hbm>> -> memref<256xf32, #tpu.memory_space<hbm>>
      %dma_start3A_169 = tpu.memref_slice %arg4[%multiple_of3A_166] : memref<523776xf32, #tpu.memory_space<hbm>> -> memref<256xf32, #tpu.memory_space<hbm>>
      %dma_start3A_170 = tpu.memref_slice %arg7[%multiple_of3A_165] : memref<16400xf32, #tpu.memory_space<vmem>> -> memref<256xf32, #tpu.memory_space<vmem>>
      tpu.enqueue_dma source(%dma_start3A_170 : memref<256xf32, #tpu.memory_space<vmem>>) target(%dma_start3A_169 : memref<256xf32, #tpu.memory_space<hbm>>) target_semaphore(%arg9 : memref<!tpu.dma_semaphore, #tpu.memory_space<semaphore_mem>>)
    }
    %while3A_116 = arith.constant 1 : i32
    scf.for %while3A_151 = %while3A_114 to %while3A_110 step %while3A_116  : i32 {
      %mul3A_152 = arith.constant 256 : i32
      %mul3A_153 = arith.muli %while3A_151, %mul3A_152 : i32
      %add3A_154 = arith.addi %shift_left3A_106, %mul3A_153 : i32
      %add3A_155 = arith.addi %add3A_90, %add3A_154 : i32
      %add3A_156 = arith.addi %mul3A_33, %add3A_154 : i32
      %multiple_of3A_157 = tpu.assume_multiple %add3A_155, 8 : i32
      %multiple_of3A_158 = tpu.assume_multiple %add3A_156, 8 : i32
      %dma_start3A_159 = tpu.memref_slice %arg6[%multiple_of3A_157] : memref<16400xf32, #tpu.memory_space<vmem>> -> memref<256xf32, #tpu.memory_space<vmem>>
      %dma_start3A_160 = tpu.memref_slice %arg3[%multiple_of3A_158] : memref<523776xf32, #tpu.memory_space<hbm>> -> memref<256xf32, #tpu.memory_space<hbm>>
      %dma_start3A_161 = tpu.memref_slice %arg3[%multiple_of3A_158] : memref<523776xf32, #tpu.memory_space<hbm>> -> memref<256xf32, #tpu.memory_space<hbm>>
      %dma_start3A_162 = tpu.memref_slice %arg6[%multiple_of3A_157] : memref<16400xf32, #tpu.memory_space<vmem>> -> memref<256xf32, #tpu.memory_space<vmem>>
      tpu.enqueue_dma source(%dma_start3A_162 : memref<256xf32, #tpu.memory_space<vmem>>) target(%dma_start3A_161 : memref<256xf32, #tpu.memory_space<hbm>>) target_semaphore(%arg9 : memref<!tpu.dma_semaphore, #tpu.memory_space<semaphore_mem>>)
      %add3A_163 = arith.addi %add3A_90, %add3A_154 : i32
      %add3A_164 = arith.addi %mul3A_33, %add3A_154 : i32
      %multiple_of3A_165 = tpu.assume_multiple %add3A_163, 8 : i32
      %multiple_of3A_166 = tpu.assume_multiple %add3A_164, 8 : i32
      %dma_start3A_167 = tpu.memref_slice %arg7[%multiple_of3A_165] : memref<16400xf32, #tpu.memory_space<vmem>> -> memref<256xf32, #tpu.memory_space<vmem>>
      %dma_start3A_168 = tpu.memref_slice %arg4[%multiple_of3A_166] : memref<523776xf32, #tpu.memory_space<hbm>> -> memref<256xf32, #tpu.memory_space<hbm>>
      %dma_start3A_169 = tpu.memref_slice %arg4[%multiple_of3A_166] : memref<523776xf32, #tpu.memory_space<hbm>> -> memref<256xf32, #tpu.memory_space<hbm>>
      %dma_start3A_170 = tpu.memref_slice %arg7[%multiple_of3A_165] : memref<16400xf32, #tpu.memory_space<vmem>> -> memref<256xf32, #tpu.memory_space<vmem>>
      tpu.enqueue_dma source(%dma_start3A_170 : memref<256xf32, #tpu.memory_space<vmem>>) target(%dma_start3A_169 : memref<256xf32, #tpu.memory_space<hbm>>) target_semaphore(%arg9 : memref<!tpu.dma_semaphore, #tpu.memory_space<semaphore_mem>>)
    }
    %shift_left3A_117 = arith.constant 8 : i32
    %shift_left3A_118 = arith.shli %add3A, %shift_left3A_117 : i32
    %add3A_119 = arith.addi %add3A_90, %shift_left3A_118 : i32
    %add3A_120 = arith.addi %mul3A_33, %shift_left3A_118 : i32
    %multiple_of3A_121 = tpu.assume_multiple %add3A_119, 8 : i32
    %multiple_of3A_122 = tpu.assume_multiple %add3A_120, 8 : i32
    %dma_start3A_123 = tpu.memref_slice %arg6[%multiple_of3A_121] : memref<16400xf32, #tpu.memory_space<vmem>> -> memref<120xf32, #tpu.memory_space<vmem>>
    %dma_start3A_124 = tpu.memref_slice %arg3[%multiple_of3A_122] : memref<523776xf32, #tpu.memory_space<hbm>> -> memref<120xf32, #tpu.memory_space<hbm>>
    %dma_start3A_125 = tpu.memref_slice %arg3[%multiple_of3A_122] : memref<523776xf32, #tpu.memory_space<hbm>> -> memref<120xf32, #tpu.memory_space<hbm>>
    %dma_start3A_126 = tpu.memref_slice %arg6[%multiple_of3A_121] : memref<16400xf32, #tpu.memory_space<vmem>> -> memref<120xf32, #tpu.memory_space<vmem>>
    tpu.enqueue_dma source(%dma_start3A_126 : memref<120xf32, #tpu.memory_space<vmem>>) target(%dma_start3A_125 : memref<120xf32, #tpu.memory_space<hbm>>) target_semaphore(%arg9 : memref<!tpu.dma_semaphore, #tpu.memory_space<semaphore_mem>>)
    %add3A_127 = arith.addi %add3A_90, %shift_left3A_118 : i32
    %add3A_128 = arith.addi %mul3A_33, %shift_left3A_118 : i32
    %multiple_of3A_129 = tpu.assume_multiple %add3A_127, 8 : i32
    %multiple_of3A_130 = tpu.assume_multiple %add3A_128, 8 : i32
    %dma_start3A_131 = tpu.memref_slice %arg7[%multiple_of3A_129] : memref<16400xf32, #tpu.memory_space<vmem>> -> memref<120xf32, #tpu.memory_space<vmem>>
    %dma_start3A_132 = tpu.memref_slice %arg4[%multiple_of3A_130] : memref<523776xf32, #tpu.memory_space<hbm>> -> memref<120xf32, #tpu.memory_space<hbm>>
    %dma_start3A_133 = tpu.memref_slice %arg4[%multiple_of3A_130] : memref<523776xf32, #tpu.memory_space<hbm>> -> memref<120xf32, #tpu.memory_space<hbm>>
    %dma_start3A_134 = tpu.memref_slice %arg7[%multiple_of3A_129] : memref<16400xf32, #tpu.memory_space<vmem>> -> memref<120xf32, #tpu.memory_space<vmem>>
    tpu.enqueue_dma source(%dma_start3A_134 : memref<120xf32, #tpu.memory_space<vmem>>) target(%dma_start3A_133 : memref<120xf32, #tpu.memory_space<hbm>>) target_semaphore(%arg9 : memref<!tpu.dma_semaphore, #tpu.memory_space<semaphore_mem>>)
    %dma_wait3A_135 = arith.constant 0 : i32
    %dma_wait3A_136 = tpu.memref_slice %arg6[%dma_wait3A_135] : memref<16400xf32, #tpu.memory_space<vmem>> -> memref<16368xf32, #tpu.memory_space<vmem>>
    %dma_wait3A_137 = arith.constant 0 : i32
    %dma_wait3A_138 = tpu.memref_slice %arg3[%dma_wait3A_137] : memref<523776xf32, #tpu.memory_space<hbm>> -> memref<16368xf32, #tpu.memory_space<hbm>>
    %dma_wait3A_139 = arith.constant 0 : i32
    %dma_wait3A_140 = tpu.memref_slice %arg6[%dma_wait3A_139] : memref<16400xf32, #tpu.memory_space<vmem>> -> memref<16368xf32, #tpu.memory_space<vmem>>
    %dma_wait3A_141 = arith.constant 0 : i32
    %dma_wait3A_142 = tpu.memref_slice %arg3[%dma_wait3A_141] : memref<523776xf32, #tpu.memory_space<hbm>> -> memref<16368xf32, #tpu.memory_space<hbm>>
    tpu.wait_dma2 semaphore(%arg9 : memref<!tpu.dma_semaphore, #tpu.memory_space<semaphore_mem>>) src(%dma_wait3A_142 : memref<16368xf32, #tpu.memory_space<hbm>>) dst(%dma_wait3A_140 : memref<16368xf32, #tpu.memory_space<vmem>>)
    %dma_wait3A_143 = arith.constant 0 : i32
    %dma_wait3A_144 = tpu.memref_slice %arg7[%dma_wait3A_143] : memref<16400xf32, #tpu.memory_space<vmem>> -> memref<16368xf32, #tpu.memory_space<vmem>>
    %dma_wait3A_145 = arith.constant 0 : i32
    %dma_wait3A_146 = tpu.memref_slice %arg4[%dma_wait3A_145] : memref<523776xf32, #tpu.memory_space<hbm>> -> memref<16368xf32, #tpu.memory_space<hbm>>
    %dma_wait3A_147 = arith.constant 0 : i32
    %dma_wait3A_148 = tpu.memref_slice %arg7[%dma_wait3A_147] : memref<16400xf32, #tpu.memory_space<vmem>> -> memref<16368xf32, #tpu.memory_space<vmem>>
    %dma_wait3A_149 = arith.constant 0 : i32
    %dma_wait3A_150 = tpu.memref_slice %arg4[%dma_wait3A_149] : memref<523776xf32, #tpu.memory_space<hbm>> -> memref<16368xf32, #tpu.memory_space<hbm>>
    tpu.wait_dma2 semaphore(%arg9 : memref<!tpu.dma_semaphore, #tpu.memory_space<semaphore_mem>>) src(%dma_wait3A_150 : memref<16368xf32, #tpu.memory_space<hbm>>) dst(%dma_wait3A_148 : memref<16368xf32, #tpu.memory_space<vmem>>)
    return
  }
}

</mosaic_0001>

<sc_bundles>
// kernel: kernel.3.cloned.1.call-start
scs
__scs_entry_jumppad:
0x0: {  	(pc) =	sbr.rel $0x88, $3  }
0x1: {  	(tag) =	ssettag $0x0;
	lr =	simm.s32 $0x1  }
0x2: {  	[smem:$0x3FA0] =	sst lr;
	_ =	strace $0xD0000000  }
0x3: {  	_ = 	snop  }
0x4: {  	_ = 	snop  }
0x5: {  	_ = 	snop  }
0x6: {  	_ = 	snop  }
0x7: {  	_ = 	snop  }
__scs_overlays_trampoline_lowered:
0x8: {  	[smem:$0x3FAF] =	sst s0  }
0x9: {  	[smem:$0x3FB0] =	sst s1  }
0xa: {  	[smem:$0x3FB1] =	sst s2  }
0xb: {  	[smem:$0x3FB2] =	sst s3  }
0xc: {  	[smem:$0x3FB3] =	sst s4  }
0xd: {  	[smem:$0x3FB4] =	sst s5  }
0xe: {  	[smem:$0x3FB5] =	sst s6  }
0xf: {  	[smem:$0x3FB6] =	sst s7  }
0x10: {  	[smem:$0x3FB7] =	sst s8  }
0x11: {  	[smem:$0x3FB8] =	sst s9;
	s0 =	simm.s32 @!p0 $0x0  }
0x12: {  	s1 =	sld [smem:$0x3F9E];
	s0 =	simm.s32 @p0 $0x1  }
0x13: {  	[smem:$0x3FB9] =	sst s0;
	s0 =	simm.s32 @!p1 $0x0  }
0x14: {  	s2 =	sld [smem:$0x3F9D];
	s0 =	simm.s32 @p1 $0x1  }
0x15: {  	[smem:$0x3FBA] =	sst s0;
	s0 =	simm.s32 @!p2 $0x0  }
0x16: {  	s3 =	sld [smem:$0x3FDB];
	s0 =	simm.s32 @p2 $0x1  }
0x17: {  	s4 =	simm.s32 $0x1BF5;
	[smem:$0x3FBC] =	sst s0  }
0x18: {  	s0 =	sld [smem:$0x3F9F];
	_ =	swait.ge [sflag:s4], $0x0  }
0x19: {  	s7 =	sld [smem:$0x3FA0]  }
0x1a: {  	s8 =	sadd.s32 $0xFFFFE003, lr  }
0x1b: {  	s9 =	sadd.s32 $0xFFFFFEF7, lr;
	s5 =	simm.s32 $0xFFFFFFFF;
	p2 =	slt.u32 s8, $0xFFFFF086  }
0x1c: {  	p1 =	slt.u32 s9, $0xF7A;
	s5 =	simm.s32 @!p2 $0x0  }
0x1d: {  	s5 =	simm.s32 @p1 $0x1;
	p0 =	seq.s32 s7, s2  }
0x1e: {  	s7 =	smul.u32 @!p0 $0xF7A, s2;
	p2 =	seq.s32 @!p0 s5, $0x0  }
0x1f: {  	s9 =	smul.u32 $0xF7A, s1;
	s8 =	simm.s32 @!p0 $0x1BF5;
	p2 =	por !p2, p0  }
0x20: {  	[sflag:s8] =	ssyncset.s32 @!p0 $0xFFFFF086;
	s6 =	sadd.s32 @!p0 s3, s7;
	s7 =	simm.s32 @!p0 $0x108  }
0x21: {  	s3 =	sadd.s32 s3, s9;
	s6 =	sadd.s32 @!p0 $0x88, s6;
	s7 =	simm.s32 @p2 $0x1082  }
0x22: {  	[simem:s7], [sflag:s8] =	dma.local @!p0 [hbm:s6], $0xF7A  }
0x23: {  	s9 =	sor.u32 $0xD0000000, s2;
	s6 =	simm.s32 $0x108;
	_ =	swait.ge @!p0 [sflag:s8], $0x0  }
0x24: {  	s3 =	sadd.s32 $0x88, s3;
	s6 =	simm.s32 @!p1 $0x1082;
	[sflag:s4] =	ssyncset.s32 $0xFFFFF086  }
0x25: {  	[simem:s6], [sflag:s4] =	dma.local [hbm:s3], $0xF7A  }
0x26: {  	[smem:$0x3FA0] =	sst s1;
	(tag) =	ssettag s2;
	_ =	strace s9  }
0x27: {  	s1 =	sld [smem:$0x3FB0]  }
0x28: {  	s2 =	sld [smem:$0x3FB1]  }
0x29: {  	s4 =	sld [smem:$0x3FB3]  }
0x2a: {  	p0 =	seq.s32 s5, $0x0;
	s5 =	sld [smem:$0x3FB4]  }
0x2b: {  	s6 =	sld [smem:$0x3FB5]  }
0x2c: {  	s7 =	sld [smem:$0x3FB6]  }
0x2d: {  	s3 =	simm.s32 $0x108;
	s8 =	sld [smem:$0x3FB7]  }
0x2e: {  	s3 =	simm.s32 @!p0 $0x1082;
	s9 =	sld [smem:$0x3FB8]  }
0x2f: {  	lr =	sadd.s32 s0, s3;
	s0 =	sld [smem:$0x3FAF]  }
0x30: {  	s3 =	sld [smem:$0x3FB2]  }
0x31: {  	[smem:$0x3FBB] =	sst s10  }
0x32: {  	s10 =	sld [smem:$0x3FB9];
	_ =	sdelay $0x3  }
0x33: {  	p0 =	seq.s32 s10, $0x1;
	s10 =	sld [smem:$0x3FBB];
	_ =	sdelay $0x3  }
0x34: {  	[smem:$0x3FBB] =	sst s10  }
0x35: {  	s10 =	sld [smem:$0x3FBA];
	_ =	sdelay $0x3  }
0x36: {  	p1 =	seq.s32 s10, $0x1;
	s10 =	sld [smem:$0x3FBB];
	_ =	sdelay $0x3  }
0x37: {  	[smem:$0x3FBB] =	sst s10  }
0x38: {  	s10 =	sld [smem:$0x3FBC]  }
0x39: {  	_ = 	snop;
	(pc) =	sbr.ind lr, $3  }
0x3a: {  	_ = 	snop  }
0x3b: {  	_ = 	snop  }
0x3c: {  	p2 =	seq.s32 s10, $0x1;
	s10 =	sld [smem:$0x3FBB]  }
0x3d: {  	_ =	shalt  }
0x3e: {  	_ =	shalt  }
0x3f: {  	_ =	shalt  }
0x40: {  	_ =	shalt  }
0x41: {  	_ =	shalt  }
0x42: {  	_ =	shalt  }
0x43: {  	_ =	shalt  }
0x44: {  	_ =	shalt  }
0x45: {  	_ =	shalt  }
0x46: {  	_ =	shalt  }
0x47: {  	_ =	shalt  }
0x48: {  	_ =	shalt  }
0x49: {  	_ =	shalt  }
0x4a: {  	_ =	shalt  }
0x4b: {  	_ =	shalt  }
0x4c: {  	_ =	shalt  }
0x4d: {  	_ =	shalt  }
0x4e: {  	_ =	shalt  }
0x4f: {  	_ =	shalt  }
0x50: {  	_ =	shalt  }
0x51: {  	_ =	shalt  }
0x52: {  	_ =	shalt  }
0x53: {  	_ =	shalt  }
0x54: {  	_ =	shalt  }
0x55: {  	_ =	shalt  }
0x56: {  	_ =	shalt  }
0x57: {  	_ =	shalt  }
0x58: {  	_ =	shalt  }
0x59: {  	_ =	shalt  }
0x5a: {  	_ =	shalt  }
0x5b: {  	_ =	shalt  }
0x5c: {  	_ =	shalt  }
0x5d: {  	_ =	shalt  }
0x5e: {  	_ =	shalt  }
0x5f: {  	_ =	shalt  }
0x60: {  	_ =	shalt  }
0x61: {  	_ =	shalt  }
0x62: {  	_ =	shalt  }
0x63: {  	_ =	shalt  }
0x64: {  	_ =	shalt  }
0x65: {  	_ =	shalt  }
0x66: {  	_ =	shalt  }
0x67: {  	_ =	shalt  }
0x68: {  	_ =	shalt  }
0x69: {  	_ =	shalt  }
0x6a: {  	_ =	shalt  }
0x6b: {  	_ =	shalt  }
0x6c: {  	_ =	shalt  }
0x6d: {  	_ =	shalt  }
0x6e: {  	_ =	shalt  }
0x6f: {  	_ =	shalt  }
0x70: {  	_ =	shalt  }
0x71: {  	_ =	shalt  }
0x72: {  	_ =	shalt  }
0x73: {  	_ =	shalt  }
0x74: {  	_ =	shalt  }
0x75: {  	_ =	shalt  }
0x76: {  	_ =	shalt  }
0x77: {  	_ =	shalt  }
0x78: {  	_ =	shalt  }
0x79: {  	_ =	shalt  }
0x7a: {  	_ =	shalt  }
0x7b: {  	_ =	shalt  }
0x7c: {  	_ =	shalt  }
0x7d: {  	_ =	shalt  }
0x7e: {  	_ =	shalt  }
0x7f: {  	_ =	shalt  }
0x80: {  	_ =	shalt  }
0x81: {  	_ =	shalt  }
0x82: {  	_ =	shalt  }
0x83: {  	_ =	shalt  }
0x84: {  	_ =	shalt  }
0x85: {  	_ =	shalt  }
0x86: {  	_ =	shalt  }
0x87: {  	_ =	shalt  }
.Lfunc_end0:
.L_simem_size_0:
called_computation_lowered:
.L_overlay_start_0:
0x88: {  	s2 =	sld [smem:$0x3FD9]  }
0x89: {  	s3 =	sld [smem:$0x3FFE];
	_ =	sdelay $0x1  }
0x8a: {  	s1 =	srdreg.scid  }
0x8b: {  	s0 =	sand.u32 $0x1, s1  }
0x8c: {  	s15 =	sshll.u32 s0, $0xA;
	s2 =	sadd.s32 s3, s2  }
0x8d: {  	s2 =	sadd.s32 s2, s15  }
0x8e: {  	[smem:$0x3FC7] =	sst s2  }
0x8f: {  	_ = 	snop  }
0x90: {  	s2 =	sld [smem:$0x3FD0];
	_ =	sdelay $0x2  }
0x91: {  	s4 =	simm.s32 $0xA;
	s5 =	simm.s32 $0x10;
	s16 =	sld [smem:$0x3FC9]  }
0x92: {  	[smem:s5], [sflag:s4] =	dma.local [hbm:s2], $0x1  }
0x93: {  	_ =	swait.eq [sflag:s4], $0x1  }
0x94: {  	[sflag:s4] =	ssyncset.done $0x0  }
0x95: {  	s17 =	sld [smem:$0x10];
	[sflag:s4] =	ssyncadd.s32 $0xFFFFFFFF  }
0x96: {  	s18 =	sld [smem:$0x11];
	(tm) =	ssettm $0x1  }
0x97: {  	s19 =	sld [smem:$0x3FFB];
	_ =	sdelay $0x3  }
0x98: {  	_ =	strace s19  }
0x99: {  	s5 =	sld [smem:$0x3FFC];
	_ =	sdelay $0x3  }
0x9a: {  	_ =	strace s5  }
0x9b: {  	s5 =	sld [smem:$0x3FFD];
	_ =	sdelay $0x3  }
0x9c: {  	_ =	strace s5  }
0x9d: {  	_ =	strace $0x8FFFFFFF  }
0x9e: {  	s20 =	sld [smem:$0x3FDB];
	_ =	sdelay $0x1  }
0x9f: {  	s6 =	simm.s32 $_scs_section_size  }
0xa0: {  	s7 =	simm.s32 $_size__tile_overlayer_lowered;
	s8 =	simm.s32 $_tile_overlayer_lowered  }
0xa1: {  	s23 =	simm.s32 $0x1BFF;
	s22 =	sshll.u32 s8, $0x1;
	s5 =	sadd.s32 s6, s20  }
0xa2: {  	s9 =	simm.s32 $0x0;
	s21 =	sshll.u32 s7, $0x1;
	s7 =	sadd.s32 s22, s5  }
0xa3: {  	[timem:s9], [sflag:s23] =	dma.local [hbm:s7], s21  }
0xa4: {  	_ =	swait.ge [sflag:s23], s21  }
0xa5: {  	s6 =	ssub.s32 $0x0, s21;
	[sflag:s23] =	ssyncset.done $0x0  }
0xa6: {  	[sflag:s23] =	ssyncadd.s32 s6;
	_ =	sdelay $0x1  }
0xa7: {  	s24 =	simm.s32 $0x1B8B  }
0xa8: {  	_ =	swait.ge [sflag:s24], $0x1  }
0xa9: {  	[sflag:s24] =	ssyncset.done $0x0  }
0xaa: {  	s25 =	simm.s32 $0x1B8E;
	[sflag:s24] =	ssyncadd.s32 $0xFFFFFFFF  }
0xab: {  	s26 =	simm.s32 $execute0_lowered;
	[smem:$0x3FD2] =	sst s25  }
0xac: {  	s6 =	sshll.u32 s26, $0x1;
	_ =	strace $0x80000046;
	[dreg:$0x1] =	wrdreg $0xFFFFFFFF  }
0xad: {  	s28 =	simm.s32 $_size_execute0_lowered;
	s5 =	sadd.s32 s5, s6;
	[dreg:$0x0] =	wrdreg $0x0  }
0xae: {  	s6 =	sshll.u32 s28, $0x1;
	[dreg:$0x2] =	wrdreg s5  }
0xaf: {  	[dreg:$0x3] =	wrdreg s6  }
0xb0: {  	[dreg:$0x4] =	wrdreg $0xC0  }
0xb1: {  	_ =	task [dreg:s9], $0x5FFFF  }
0xb2: {  	[dreg:$0x1] =	wrdreg $0xFFFFFFFF  }
0xb3: {  	[dreg:$0x0] =	wrdreg $0x60  }
0xb4: {  	[dreg:$0x2] =	wrdreg s16  }
0xb5: {  	[dreg:$0x3] =	wrdreg s17  }
0xb6: {  	[dreg:$0x4] =	wrdreg s18  }
0xb7: {  	[dreg:$0x5] =	wrdreg $0x9  }
0xb8: {  	_ =	task.clear_ibuf [dreg:s9], $0x6FFFF;
	_ =	strace $0x90000046  }
0xb9: {  	s29 =	simm.s32 $0x9;
	_ =	strace $0x80000048  }
0xba: {  	_ =	swait.ge [sflag:s29], $0x1  }
0xbb: {  	[sflag:s29] =	ssyncadd.s32 $0xFFFFFFFF  }
0xbc: {  	_ =	strace $0x90000048  }
0xbd: {  	_ =	sfence  }
0xbe: {  	s30 =	sld [smem:$0x0];
	_ =	sdelay $0x2  }
0xbf: {  	s31 =	sshll.u32 s1, $0xD;
	s1 =	sshrl.u32 s1, $0x2  }
0xc0: {  	s3 =	sand.u32 $0x4000, s31;
	s1 =	sadd.s32 s1, s30  }
0xc1: {  	s0 =	sor.u32 s3, s0;
	s1 =	sshll.u32 s1, $0x11  }
0xc2: {  	s0 =	sor.u32 s1, s0  }
0xc3: {  	s0 =	sadd.s32 $0x8F2B, s0  }
0xc4: {  	[sflag:s0] =	ssyncadd.remote.s32 $0x1  }
0xc5: {  	_ =	sfence.sel $0xFFFF  }
0xc6: {  	[dreg:$0x0] =	wrdreg $0xFFFFFFFF;
	(pc) =	sbr.abs _section_cstart, $3  }
0xc7: {  	[dreg:$0x1] =	wrdreg $0xFFFFFFFF  }
0xc8: {  	_ =	task.clear_ibuf [dreg:s9], $0x2FFFF;
	_ =	strace $0x9FFFFFFF  }
0xc9: {  	(tm) =	ssettm $0x7FFFFFFF  }
tec
execute0_lowered:
.L_overlay_start_1:
0x0: {  	(tag) =	ssettag $0x1  }
0x1: {  	s3 =	rddreg [dreg:$0x1]  }
0x2: {  	s0 =	srdreg.scid;
	s17 =	stileid.u32  }
0x3: {  	s4 =	rddreg [dreg:$0x2];
	s5 =	simm.s32 $0x0;
	s1 =	sand.u32 $0x1, s0  }
0x4: {  	s2 =	sshll.u32 s17, $0x1;
	[smem:$0x7FF] =	sst s5;
	s16 =	sshll.u32 s17, $0x5  }
0x5: {  	s18 =	sshll.u32 s17, $0x7;
	s21 =	sshll.u32 s17, $0x4;
	s24 =	sshll.u32 s17, $0xB  }
0x6: {  	s8 =	sor.u32 s1, s2;
	s7 =	ssub.s32 $0x2, s1;
	_ =	strace $0x80000047  }
0x7: {  	s20 =	sshll.u32 s1, $0x6;
	s2 =	sand.u32 $0x6, s2;
	s22 =	sshll.u32 s1, $0xA  }
0x8: {  	s6 =	sshll.u32 s8, $0x4;
	s9 =	sxor.u32 $0x3F, s8;
	s12 =	sshrl.u32 s7, $0x1  }
0x9: {  	s13 =	sshll.u32 s8, $0x8;
	s10 =	sxor.u32 $0x7FF, s6;
	s26 =	sshll.u32 s9, $0x4  }
0xa: {  	s12 =	ssub.s32 s7, s12;
	s29 =	sshll.u32 s9, $0x8;
	s7 =	sshrl.u32 s9, $0x3  }
0xb: {  	s19 =	sand.u32 $0x7, s9;
	s11 =	smul.u32 s10, s8;
	s0 =	sxor.u32 $0x7FF, s26  }
0xc: {  	s31 =	sadd.s32 $0x480, s29;
	s8 =	sand.u32 $0x7, s8;
	[dreg:$0x4] =	wrdreg s19  }
0xd: {  	p1 =	seq.s32 s19, $0x0;
	s19 =	simm.s32 $0x1;
	s0 =	smul.u32 s0, s9  }
0xe: {  	[dreg:$0x6] =	wrdreg s31;
	p0 =	seq.s32 s8, $0x0;
	s31 =	smax.u32 s12, $0x1  }
0xf: {  	s12 =	sshll.u32 s7, $0xB;
	s28 =	sshll.u32 s11, $0x3;
	s11 =	sadd.s32 $0x4500, s29  }
0x10: {  	[dreg:$0xf] =	wrdreg s31;
	s14 =	sshll.u32 s0, $0x3;
	s15 =	sadd.s32 s29, s28  }
0x11: {  	[dreg:$0x8] =	wrdreg s11;
	s11 =	sor.u32 s18, s20;
	s20 =	sshrl.u32 s17, $0x2  }
0x12: {  	s0 =	sand.u32 $0x1FFFFFFF, s0;
	s30 =	sshrl.u32 s15, $0x3;
	s23 =	sshll.u32 s20, $0xD  }
0x13: {  	s26 =	sshll.u32 s20, $0xB;
	s28 =	sadd.s32 s13, s14;
	s13 =	sxor.u32 $0x3F88, s13  }
0x14: {  	s8 =	sadd.s32 $0x104, s11;
	[dreg:$0x9] =	wrdreg s20;
	p2 =	seq.s32 s20, $0x0  }
0x15: {  	s20 =	simm.s32 $0x0;
	s15 =	sadd.s32 s3, s30;
	[dreg:$0xc] =	wrdreg s13  }
0x16: {  	s9 =	sadd.s32 s4, s30;
	[dreg:$0x5] =	wrdreg s15;
	s15 =	sshll.u32 s1, $0x4  }
0x17: {  	s25 =	ssub.s32 s23, s22;
	[dreg:$0x7] =	wrdreg s9;
	s9 =	sor.u32 s16, s15  }
0x18: {  	s16 =	sshll.u32 s1, $0x3;
	s1 =	sor.u32 s1, s2;
	s2 =	sadd.s32 s26, s14  }
0x19: {  	s15 =	sor.u32 s16, s21;
	[dreg:$0xa] =	wrdreg s1;
	s1 =	ssub.s32 s25, s24  }
0x1a: {  	[dreg:$0xb] =	wrdreg s2;
	s2 =	sshrl.u32 s28, $0x3;
	s30 =	sxor.u32 $0x3FF, s9  }
0x1b: {  	s16 =	sor.u32 $0x4500, s12;
	s18 =	ssub.s32 $0x40E, s9;
	s21 =	sadd.s32 $0x1E, s9  }
0x1c: {  	s28 =	ssub.s32 $0x1184, s11;
	s11 =	sadd.s32 s0, s4;
	[dreg:$0x12] =	wrdreg s16  }
0x1d: {  	s10 =	smul.u32 s15, s10;
	s15 =	sor.u32 s24, s22;
	[dreg:$0x16] =	wrdreg s18  }
0x1e: {  	s29 =	sadd.s32 s3, s2;
	s2 =	sadd.s32 s4, s2;
	[dreg:$0x17] =	wrdreg s21  }
0x1f: {  	s24 =	sshll.u32 s9, $0x2;
	s1 =	sadd.s32 $0xFE20, s1;
	[dreg:$0xd] =	wrdreg s29  }
0x20: {  	s16 =	simm.s32 $0x2;
	[dreg:$0xe] =	wrdreg s2;
	s2 =	sshll.u32 s30, $0x2  }
0x21: {  	s25 =	sxor.u32 $0xFFE0, s15;
	s26 =	sxor.u32 $0xFE20, s15;
	s30 =	sshrl.u32 s28, $0x2  }
0x22: {  	s31 =	sshra.s32 s1, $0x2;
	[dreg:$0x10] =	wrdreg s2;
	s2 =	sshrl.u32 s8, $0x2  }
0x23: {  	s13 =	sshrl.u32 s10, $0x3;
	s14 =	sadd.s32 s12, s10;
	[dreg:$0x1b] =	wrdreg s30  }
0x24: {  	s18 =	sadd.s32 $0x480, s31;
	[dreg:$0x11] =	wrdreg s2;
	s22 =	sadd.s32 s13, s4  }
0x25: {  	s23 =	sadd.s32 s13, s3;
	s2 =	sor.u32 $0x480, s12;
	s17 =	sshrl.u32 s14, $0x3  }
0x26: {  	s12 =	sadd.s32 s0, s3;
	[dreg:$0x13] =	wrdreg s2;
	s8 =	sadd.s32 s17, s4  }
.Ltmp0:
0x27: {  	s2 =	sadd.s32 s17, s3;
	[dreg:$0x14] =	wrdreg s8;
	(pc) =	sbr.rel .LBB2_1-.Ltmp0, $4  }
0x28: {  	[dreg:$0x15] =	wrdreg s2;
	s8 =	sshrl.u32 s25, $0x2;
	s2 =	sor.u32 $0x3C, s24  }
0x29: {  	s17 =	sadd.s32 $0x4500, s31;
	[dreg:$0x18] =	wrdreg s2;
	s29 =	sadd.s32 $0x4500, s8  }
0x2a: {  	s2 =	sshrl.u32 s26, $0x2;
	s8 =	sadd.s32 $0x480, s8;
	[dreg:$0x19] =	wrdreg s29  }
0x2b: {  	[dreg:$0x1a] =	wrdreg s8;
	s9 =	sadd.s32 $0x4500, s2;
	s10 =	sadd.s32 $0x480, s2  }
.LBB2_32:
0x2c: {  	s0 =	rddreg [dreg:$0xd];
	s1 =	simm.s32 $0x4408  }
0x2d: {  	[hbm4b:s0+s5] =	stream.linear.scatter [tilespmem:s1], [sflag:$0x2], $0x78, $0x38;
	[tilespmem:$0x8580] =	vst v63  }
0x2e: {  	s29 =	rddreg [dreg:$0xe];
	s30 =	simm.s32 $0x8488  }
0x2f: {  	[hbm4b:s29+s5] =	stream.linear.scatter [tilespmem:s30], [sflag:$0x2], $0x78, $0x38;
	[tilespmem:$0x8580] =	vst v63  }
0x30: {  	_ =	swait.ge [sflag:s16], $0x3FF0  }
0x31: {  	[sflag:s16] =	ssyncset.done $0x0  }
0x32: {  	[sflag:s16] =	ssyncadd.s32 $0xFFFFC010  }
0x33: {  	_ =	swait.ge [sflag:s16], $0x3FF0  }
0x34: {  	s20 =	sadd.s32 $0x1, s20;
	s31 =	rddreg [dreg:$0xf]  }
0x35: {  	p3 =	sne.s32 s20, s31  }
.Ltmp1:
0x36: {  	_ = 	snop;
	(pc) =	sbr.rel @!p3 .LBB2_33-.Ltmp1, $3  }
0x37: {  	_ =	sdelay $0x1  }
0x38: {  	[sflag:s16] =	ssyncset.done $0x0  }
0x39: {  	[sflag:s16] =	ssyncadd.s32 $0xFFFFC010  }
.LBB2_1:
0x3a: {  	s0 =	rddreg [dreg:$0x0]  }
0x3b: {  	[tilespmem:s5], [sflag:$0x1] =	stream.linear.gather [hbm4b:s0+s5], $0x400, $0x38;
	[tilespmem:$0x8580] =	vst v63  }
.Ltmp2:
0x3c: {  	_ = 	snop;
	(pc) =	sbr.rel .LBB2_2-.Ltmp2, $4  }
0x3d: {  	_ =	swait.ge [sflag:s19], $0x400  }
0x3e: {  	s25 =	simm.s32 $0x4540;
	s1 =	simm.s32 $0x4C0;
	s0 =	rddreg [dreg:$0x11]  }
0x3f: {  	s31 =	simm.s32 $0x0;
	[sflag:s19] =	ssyncset.done $0x0;
	s29 =	rddreg [dreg:$0x10]  }
0x40: {  	s30 =	simm.s32 $0x0;
	s2 =	rddreg [dreg:$0x16];
	[sflag:s19] =	ssyncadd.s32 $0xFFFFFC00  }
.LBB2_10:
0x41: {  	s30 =	sadd.s32 $0x1, s30  }
0x42: {  	p3 =	sne.s32 s30, $0x10  }
.Ltmp3:
0x43: {  	_ = 	snop;
	(pc) =	sbr.rel @!p3 .LBB2_11-.Ltmp3, $4  }
0x44: {  	_ = 	snop  }
0x45: {  	s8 =	ssub.s32 s31, s8;
	s2 =	sadd.s32 $0xFFFFFFFF, s2;
	s28 =	sadd.s32 $0xFFFFFFFC, s29  }
0x46: {  	s13 =	sshra.s32 s29, $0x2;
	s0 =	sadd.s32 $0x1, s0;
	s31 =	sadd.s32 $0x3FF, s8  }
0x47: {  	s25 =	sadd.s32 s13, s25;
	s1 =	sadd.s32 s13, s1;
	s29 =	smov.u32 s28  }
.LBB2_2:
0x48: {  	s8 =	sor.u32 s6, s30  }
0x49: {  	v0 =	vmov s8;
	_ =	sdelay $0x3  }
0x4a: {  	p3 =	sgt.u32 s8, $0x38E  }
.Ltmp4:
0x4b: {  	v0 =	vld.idx.msk [tilespmem:v0+s5+$0x0], $0xffff;
	(pc) =	sbr.rel @!p3 .LBB2_4-.Ltmp4, $2  }
0x4c: {  	_ =	sdelay $0x2  }
0x4d: {  	s14 =	sadd.s32 $0x1, s8  }
.Ltmp5:
0x4e: {  	(pc) =	sbr.rel .LBB2_7-.Ltmp5, $2  }
0x4f: {  	_ =	sdelay $0x2  }
0x50: {  	s13 =	smov.u32 s31  }
.LBB2_4:
0x51: {  	[tilespmem:s1+$0xFFFFFFC0] =	vst v0;
	s13 =	sshrl.u32 s2, $0x5  }
0x52: {  	v1 =	vld [tilespmem:s0+$0xFFFFFFC0];
	s13 =	sand.u32 $0x7FFFFFC, s13  }
0x53: {  	p3 =	sne.s32 s13, $0x4  }
.Ltmp6:
0x54: {  	_ = 	snop;
	(pc) =	sbr.rel @!p3 .LBB2_6-.Ltmp6, $3  }
0x55: {  	_ =	sdelay $0x1  }
0x56: {  	s15 =	smov.u32 s0;
	s21 =	smov.u32 s25;
	[tilespmem:s25+$0xFFFFFFC0] =	vst v1  }
0x57: {  	s24 =	smov.u32 s1;
	s28 =	smov.u32 s31;
	s26 =	sadd.s32 $0xFFFFFFFC, s13;
	[tilespmem:s1+$0xFFFFFFD0] =	vst v0  }
.LBB2_5:
0x58: {  	p3 =	sne.s32 s26, $0x4;
	v1 =	vld [tilespmem:s15+$0xFFFFFFD0];
	_ =	sdelay $0x4  }
0x59: {  	[tilespmem:s21+$0xFFFFFFD0] =	vst v1  }
0x5a: {  	[tilespmem:s24+$0xFFFFFFE0] =	vst v0  }
0x5b: {  	v1 =	vld [tilespmem:s15+$0xFFFFFFE0];
	_ =	sdelay $0x4  }
0x5c: {  	[tilespmem:s21+$0xFFFFFFE0] =	vst v1  }
0x5d: {  	[tilespmem:s24+$0xFFFFFFF0] =	vst v0  }
0x5e: {  	v1 =	vld [tilespmem:s15+$0xFFFFFFF0];
	_ =	sdelay $0x4  }
0x5f: {  	[tilespmem:s21+$0xFFFFFFF0] =	vst v1  }
0x60: {  	[tilespmem:s24+$0x0] =	vst v0  }
0x61: {  	v1 =	vld [tilespmem:s15+$0x0];
	_ =	sdelay $0x4  }
0x62: {  	[tilespmem:s21+$0x0] =	vst v1  }
0x63: {  	[tilespmem:s24+$0x10] =	vst v0  }
0x64: {  	v1 =	vld [tilespmem:s15+$0x10];
	_ =	sdelay $0x4  }
0x65: {  	[tilespmem:s21+$0x10] =	vst v1  }
0x66: {  	[tilespmem:s24+$0x20] =	vst v0  }
0x67: {  	v1 =	vld [tilespmem:s15+$0x20];
	_ =	sdelay $0x4  }
0x68: {  	[tilespmem:s21+$0x20] =	vst v1  }
0x69: {  	[tilespmem:s24+$0x30] =	vst v0  }
0x6a: {  	v1 =	vld [tilespmem:s15+$0x30];
	_ =	sdelay $0x4  }
0x6b: {  	s28 =	sadd.s32 $0x80, s28;
	s14 =	sadd.s32 $0x80, s14;
	s24 =	sadd.s32 $0x80, s24;
	[tilespmem:s21+$0x30] =	vst v1  }
0x6c: {  	s15 =	sadd.s32 $0x80, s15;
	[tilespmem:s24+$0xFFFFFFC0] =	vst v0  }
0x6d: {  	v1 =	vld [tilespmem:s15+$0xFFFFFFC0];
	_ =	sdelay $0x1  }
.Ltmp7:
0x6e: {  	(pc) =	sbr.rel @p3 .LBB2_5-.Ltmp7, $4  }
0x6f: {  	_ = 	snop  }
0x70: {  	s21 =	sadd.s32 $0x80, s21  }
0x71: {  	[tilespmem:s21+$0xFFFFFFC0] =	vst v1  }
0x72: {  	s26 =	sadd.s32 $0xFFFFFFFC, s26;
	[tilespmem:s24+$0xFFFFFFD0] =	vst v0  }
.LBB2_6:
0x73: {  	v1 =	vld [tilespmem:s15+$0xFFFFFFD0];
	_ =	sdelay $0x4  }
0x74: {  	[tilespmem:s21+$0xFFFFFFD0] =	vst v1  }
0x75: {  	[tilespmem:s24+$0xFFFFFFE0] =	vst v0  }
0x76: {  	v1 =	vld [tilespmem:s15+$0xFFFFFFE0];
	_ =	sdelay $0x4  }
0x77: {  	[tilespmem:s21+$0xFFFFFFE0] =	vst v1  }
0x78: {  	[tilespmem:s24+$0xFFFFFFF0] =	vst v0  }
0x79: {  	v1 =	vld [tilespmem:s15+$0xFFFFFFF0];
	_ =	sdelay $0x4  }
0x7a: {  	[tilespmem:s21+$0xFFFFFFF0] =	vst v1  }
0x7b: {  	[tilespmem:s24+$0x0] =	vst v0  }
0x7c: {  	v1 =	vld [tilespmem:s15+$0x0];
	_ =	sdelay $0x4  }
0x7d: {  	[tilespmem:s21+$0x0] =	vst v1  }
0x7e: {  	[tilespmem:s24+$0x10] =	vst v0  }
0x7f: {  	v1 =	vld [tilespmem:s15+$0x10];
	_ =	sdelay $0x4  }
0x80: {  	[tilespmem:s21+$0x10] =	vst v1  }
0x81: {  	[tilespmem:s24+$0x20] =	vst v0  }
0x82: {  	v1 =	vld [tilespmem:s15+$0x20];
	_ =	sdelay $0x4  }
0x83: {  	[tilespmem:s21+$0x20] =	vst v1  }
0x84: {  	[tilespmem:s24+$0x30] =	vst v0  }
0x85: {  	v1 =	vld [tilespmem:s15+$0x30];
	_ =	sdelay $0x4  }
0x86: {  	s13 =	sadd.s32 $0x80, s28;
	s14 =	sadd.s32 $0x80, s14;
	[tilespmem:s21+$0x30] =	vst v1  }
.LBB2_7:
0x87: {  	s15 =	ssub.s32 $0x40E, s8  }
0x88: {  	s21 =	sand.u32 $0x40, s15  }
0x89: {  	p3 =	seq.s32 s21, $0x0  }
0x8a: {  	[tilespmem:s13+$0x480] =	vst @!p3 v0  }
0x8b: {  	v1 =	vld @!p3 [tilespmem:s14+$0x0];
	_ =	sdelay $0x3  }
0x8c: {  	[tilespmem:s13+$0x490] =	vst @!p3 v0  }
0x8d: {  	[tilespmem:s13+$0x4500] =	vst @!p3 v1  }
0x8e: {  	v1 =	vld @!p3 [tilespmem:s14+$0x10];
	_ =	sdelay $0x3  }
0x8f: {  	[tilespmem:s13+$0x4A0] =	vst @!p3 v0  }
0x90: {  	[tilespmem:s13+$0x4510] =	vst @!p3 v1  }
0x91: {  	v1 =	vld @!p3 [tilespmem:s14+$0x20];
	_ =	sdelay $0x3  }
0x92: {  	[tilespmem:s13+$0x4B0] =	vst @!p3 v0  }
0x93: {  	s15 =	sand.u32 $0x30, s15;
	[tilespmem:s13+$0x4520] =	vst @!p3 v1  }
0x94: {  	p4 =	seq.s32 s15, $0x0;
	v1 =	vld @!p3 [tilespmem:s14+$0x30]  }
.Ltmp8:
0x95: {  	_ = 	snop;
	(pc) =	sbr.rel @p4 .LBB2_10-.Ltmp8, $2  }
0x96: {  	_ =	sdelay $0x2  }
0x97: {  	[tilespmem:s13+$0x4530] =	vst @!p3 v1  }
0x98: {  	s15 =	sadd.s32 @!p3 $0x40, s13  }
0x99: {  	s15 =	smov.u32 @p3 s13  }
0x9a: {  	s28 =	sshrl.u32 s2, $0x4;
	s13 =	sadd.s32 @!p3 $0x40, s14;
	s15 =	sshll.u32 s15, $0x2  }
0x9b: {  	s13 =	smov.u32 @p3 s14;
	s14 =	sand.u32 $0x3, s28;
	s15 =	sshra.s32 s15, $0x2  }
0x9c: {  	s13 =	sshll.u32 s13, $0x2;
	s14 =	ssub.s32 $0x0, s14;
	s21 =	sadd.s32 $0x480, s15  }
0x9d: {  	s13 =	sshra.s32 s13, $0x2;
	s14 =	sadd.s32 $0x1, s14;
	[tilespmem:s21+$0x0] =	vst v0  }
0x9e: {  	p3 =	seq.s32 s14, $0x0;
	v1 =	vld [tilespmem:s13+$0x0]  }
.Ltmp9:
0x9f: {  	_ = 	snop;
	(pc) =	sbr.rel @p3 .LBB2_10-.Ltmp9, $3  }
0xa0: {  	_ =	sdelay $0x1  }
0xa1: {  	s15 =	sadd.s32 $0x4500, s15  }
0xa2: {  	s21 =	sadd.s32 $0x10, s21;
	[tilespmem:s15+$0x0] =	vst v1  }
.LBB2_9:
0xa3: {  	[tilespmem:s21+$0x0] =	vst v0;
	s14 =	sadd.s32 $0x1, s14;
	s13 =	sadd.s32 $0x10, s13  }
0xa4: {  	v1 =	vld [tilespmem:s13+$0x0];
	p3 =	seq.s32 s14, $0x0  }
.Ltmp10:
0xa5: {  	(pc) =	sbr.rel @!p3 .LBB2_9-.Ltmp10, $3  }
0xa6: {  	_ =	sdelay $0x1  }
0xa7: {  	s15 =	sadd.s32 $0x10, s15  }
0xa8: {  	s21 =	sadd.s32 $0x10, s21;
	[tilespmem:s15+$0x0] =	vst v1  }
.Ltmp11:
0xa9: {  	_ = 	snop;
	(pc) =	sbr.rel .LBB2_10-.Ltmp11, $1  }
0xaa: {  	_ =	sdelay $0x3  }
.LBB2_11:
0xab: {  	p3 =	sne.s32 s7, $0x1  }
.Ltmp12:
0xac: {  	_ = 	snop;
	(pc) =	sbr.rel @!p3 .LBB2_13-.Ltmp12, $4  }
0xad: {  	s0 =	simm.s32 $0x480;
	s1 =	sadd.s32 $0xFFFFFFFF, s7;
	s2 =	simm.s32 $0xC80  }
0xae: {  	[hbm4b:s23+s5] =	stream.linear.scatter [tilespmem:s0], [sflag:$0x2], $0x800, $0x38;
	[tilespmem:$0x8580] =	vst v63  }
0xaf: {  	s8 =	sadd.s32 $0x100, s23;
	s13 =	smov.u32 s22;
	s0 =	simm.s32 $0x4500  }
0xb0: {  	[hbm4b:s22+s5] =	stream.linear.scatter [tilespmem:s0], [sflag:$0x2], $0x800, $0x38;
	[tilespmem:$0x8580] =	vst v63  }
.LBB2_12:
0xb1: {  	[hbm4b:s8+s5] =	stream.linear.scatter [tilespmem:s2], [sflag:$0x2], $0x800, $0x38;
	[tilespmem:$0x8580] =	vst v63  }
0xb2: {  	p3 =	sne.s32 s1, $0x1  }
.Ltmp13:
0xb3: {  	s1 =	sadd.s32 $0xFFFFFFFF, s1;
	(pc) =	sbr.rel @p3 .LBB2_12-.Ltmp13, $4  }
0xb4: {  	s0 =	sadd.s32 $0x800, s0;
	s13 =	sadd.s32 $0x100, s13  }
0xb5: {  	[hbm4b:s13+s5] =	stream.linear.scatter [tilespmem:s0], [sflag:$0x2], $0x800, $0x38;
	[tilespmem:$0x8580] =	vst v63  }
0xb6: {  	_ = 	snop  }
0xb7: {  	s2 =	sadd.s32 $0x800, s2;
	s8 =	sadd.s32 $0x100, s8  }
.LBB2_13:
.Ltmp14:
0xb8: {  	(pc) =	sbr.rel @p1 .LBB2_16-.Ltmp14, $1  }
0xb9: {  	_ =	sdelay $0x3  }
0xba: {  	s1 =	rddreg [dreg:$0x13]  }
0xbb: {  	s0 =	rddreg [dreg:$0x4]  }
0xbc: {  	s2 =	rddreg [dreg:$0x15];
	p3 =	sne.s32 s0, $0x1  }
.Ltmp15:
0xbd: {  	s8 =	rddreg [dreg:$0x12];
	(pc) =	sbr.rel @!p3 .LBB2_16-.Ltmp15, $4  }
0xbe: {  	s13 =	rddreg [dreg:$0x14]  }
0xbf: {  	[hbm4b:s2+s5] =	stream.linear.scatter [tilespmem:s1], [sflag:$0x2], $0x100, $0x38;
	[tilespmem:$0x8580] =	vst v63  }
0xc0: {  	s0 =	sadd.s32 $0xFFFFFFFF, s0;
	s1 =	sadd.s32 $0x100, s1;
	s2 =	sadd.s32 $0x20, s2  }
0xc1: {  	[hbm4b:s13+s5] =	stream.linear.scatter [tilespmem:s8], [sflag:$0x2], $0x100, $0x38;
	[tilespmem:$0x8580] =	vst v63  }
.LBB2_15:
0xc2: {  	[hbm4b:s2+s5] =	stream.linear.scatter [tilespmem:s1], [sflag:$0x2], $0x100, $0x38;
	[tilespmem:$0x8580] =	vst v63  }
0xc3: {  	p3 =	sne.s32 s0, $0x1  }
.Ltmp16:
0xc4: {  	s0 =	sadd.s32 $0xFFFFFFFF, s0;
	(pc) =	sbr.rel @p3 .LBB2_15-.Ltmp16, $4  }
0xc5: {  	s8 =	sadd.s32 $0x100, s8;
	s13 =	sadd.s32 $0x20, s13  }
0xc6: {  	[hbm4b:s13+s5] =	stream.linear.scatter [tilespmem:s8], [sflag:$0x2], $0x100, $0x38;
	[tilespmem:$0x8580] =	vst v63  }
0xc7: {  	_ = 	snop  }
0xc8: {  	s1 =	sadd.s32 $0x100, s1;
	s2 =	sadd.s32 $0x20, s2  }
.LBB2_16:
0xc9: {  	s0 =	rddreg [dreg:$0x5]  }
0xca: {  	s1 =	rddreg [dreg:$0x6]  }
0xcb: {  	s26 =	rddreg [dreg:$0x7]  }
0xcc: {  	s30 =	rddreg [dreg:$0x8]  }
0xcd: {  	s28 =	rddreg [dreg:$0x19]  }
0xce: {  	s29 =	rddreg [dreg:$0x18]  }
0xcf: {  	s31 =	rddreg [dreg:$0x17]  }
.Ltmp17:
0xd0: {  	s21 =	simm.s32 $0x0;
	s24 =	rddreg [dreg:$0xc];
	(pc) =	sbr.rel .LBB2_17-.Ltmp17, $4  }
0xd1: {  	[hbm4b:s0+s21] =	stream.linear.scatter [tilespmem:s1], [sflag:$0x2], $0x78, $0x38;
	[tilespmem:$0x8580] =	vst v63  }
0xd2: {  	s1 =	rddreg [dreg:$0x1b]  }
0xd3: {  	[hbm4b:s26+s21] =	stream.linear.scatter [tilespmem:s30], [sflag:$0x2], $0x78, $0x38;
	[tilespmem:$0x8580] =	vst v63  }
0xd4: {  	s26 =	rddreg [dreg:$0x1a]  }
.LBB2_25:
0xd5: {  	s21 =	sadd.s32 $0x1, s21  }
0xd6: {  	p3 =	sne.s32 s21, $0x10  }
.Ltmp18:
0xd7: {  	_ = 	snop;
	(pc) =	sbr.rel @!p3 .LBB2_26-.Ltmp18, $4  }
0xd8: {  	_ = 	snop  }
0xd9: {  	s0 =	ssub.s32 s24, s8;
	s31 =	sadd.s32 $0xFFFFFFFF, s31;
	s30 =	sadd.s32 $0xFFFFFFFC, s29  }
0xda: {  	s2 =	sshra.s32 s29, $0x2;
	s1 =	sadd.s32 $0x1, s1;
	s24 =	sadd.s32 $0xF, s0  }
0xdb: {  	s28 =	sadd.s32 s2, s28;
	s26 =	sadd.s32 s2, s26;
	s29 =	smov.u32 s30  }
.LBB2_17:
0xdc: {  	s8 =	ssub.s32 s21, s6  }
0xdd: {  	s0 =	sadd.s32 $0x3F0, s8  }
0xde: {  	v0 =	vmov s0;
	_ =	sdelay $0x1  }
0xdf: {  	s15 =	ssub.s32 $0x1E, s8  }
0xe0: {  	s0 =	sshra.s32 s15, $0x7  }
0xe1: {  	p3 =	slt.s32 s0, $0x1  }
.Ltmp19:
0xe2: {  	v0 =	vld.idx.msk [tilespmem:v0+s5+$0x0], $0xffff;
	(pc) =	sbr.rel @p3 .LBB2_18-.Ltmp19, $2  }
0xe3: {  	_ =	sdelay $0x2  }
0xe4: {  	s14 =	sadd.s32 $0x3F1, s8  }
0xe5: {  	[tilespmem:s26+$0xFFFFFF90] =	vst v0  }
0xe6: {  	v1 =	vld [tilespmem:s1+$0xFFFFFF90]  }
0xe7: {  	p3 =	sne.s32 s0, $0x1  }
.Ltmp20:
0xe8: {  	_ = 	snop;
	(pc) =	sbr.rel @!p3 .LBB2_21-.Ltmp20, $3  }
0xe9: {  	_ =	sdelay $0x1  }
0xea: {  	s13 =	sadd.s32 $0xFFFFFFFF, s0;
	s25 =	smov.u32 s1;
	[tilespmem:s28+$0xFFFFFF90] =	vst v1  }
0xeb: {  	s2 =	smov.u32 s28;
	s0 =	smov.u32 s26;
	s30 =	smov.u32 s24;
	[tilespmem:s26+$0xFFFFFFA0] =	vst v0  }
.LBB2_20:
0xec: {  	p3 =	sne.s32 s13, $0x1;
	v1 =	vld [tilespmem:s25+$0xFFFFFFA0];
	_ =	sdelay $0x4  }
0xed: {  	[tilespmem:s2+$0xFFFFFFA0] =	vst v1  }
0xee: {  	[tilespmem:s0+$0xFFFFFFB0] =	vst v0  }
0xef: {  	v1 =	vld [tilespmem:s25+$0xFFFFFFB0];
	_ =	sdelay $0x4  }
0xf0: {  	[tilespmem:s2+$0xFFFFFFB0] =	vst v1  }
0xf1: {  	[tilespmem:s0+$0xFFFFFFC0] =	vst v0  }
0xf2: {  	v1 =	vld [tilespmem:s25+$0xFFFFFFC0];
	_ =	sdelay $0x4  }
0xf3: {  	[tilespmem:s2+$0xFFFFFFC0] =	vst v1  }
0xf4: {  	[tilespmem:s0+$0xFFFFFFD0] =	vst v0  }
0xf5: {  	v1 =	vld [tilespmem:s25+$0xFFFFFFD0];
	_ =	sdelay $0x4  }
0xf6: {  	[tilespmem:s2+$0xFFFFFFD0] =	vst v1  }
0xf7: {  	[tilespmem:s0+$0xFFFFFFE0] =	vst v0  }
0xf8: {  	v1 =	vld [tilespmem:s25+$0xFFFFFFE0];
	_ =	sdelay $0x4  }
0xf9: {  	[tilespmem:s2+$0xFFFFFFE0] =	vst v1  }
0xfa: {  	[tilespmem:s0+$0xFFFFFFF0] =	vst v0  }
0xfb: {  	v1 =	vld [tilespmem:s25+$0xFFFFFFF0];
	_ =	sdelay $0x4  }
0xfc: {  	[tilespmem:s2+$0xFFFFFFF0] =	vst v1  }
0xfd: {  	[tilespmem:s0+$0x0] =	vst v0  }
0xfe: {  	v1 =	vld [tilespmem:s25+$0x0];
	_ =	sdelay $0x4  }
0xff: {  	s30 =	sadd.s32 $0x80, s30;
	s14 =	sadd.s32 $0x80, s14;
	s0 =	sadd.s32 $0x80, s0;
	[tilespmem:s2+$0x0] =	vst v1  }
0x100: {  	s25 =	sadd.s32 $0x80, s25;
	[tilespmem:s0+$0xFFFFFF90] =	vst v0  }
0x101: {  	v1 =	vld [tilespmem:s25+$0xFFFFFF90];
	_ =	sdelay $0x1  }
.Ltmp21:
0x102: {  	(pc) =	sbr.rel @p3 .LBB2_20-.Ltmp21, $4  }
0x103: {  	_ = 	snop  }
0x104: {  	s2 =	sadd.s32 $0x80, s2  }
0x105: {  	[tilespmem:s2+$0xFFFFFF90] =	vst v1  }
0x106: {  	s13 =	sadd.s32 $0xFFFFFFFF, s13;
	[tilespmem:s0+$0xFFFFFFA0] =	vst v0  }
.LBB2_21:
0x107: {  	v1 =	vld [tilespmem:s25+$0xFFFFFFA0];
	_ =	sdelay $0x4  }
0x108: {  	[tilespmem:s2+$0xFFFFFFA0] =	vst v1  }
0x109: {  	[tilespmem:s0+$0xFFFFFFB0] =	vst v0  }
0x10a: {  	v1 =	vld [tilespmem:s25+$0xFFFFFFB0];
	_ =	sdelay $0x4  }
0x10b: {  	[tilespmem:s2+$0xFFFFFFB0] =	vst v1  }
0x10c: {  	[tilespmem:s0+$0xFFFFFFC0] =	vst v0  }
0x10d: {  	v1 =	vld [tilespmem:s25+$0xFFFFFFC0];
	_ =	sdelay $0x4  }
0x10e: {  	[tilespmem:s2+$0xFFFFFFC0] =	vst v1  }
0x10f: {  	[tilespmem:s0+$0xFFFFFFD0] =	vst v0  }
0x110: {  	v1 =	vld [tilespmem:s25+$0xFFFFFFD0];
	_ =	sdelay $0x4  }
0x111: {  	[tilespmem:s2+$0xFFFFFFD0] =	vst v1  }
0x112: {  	[tilespmem:s0+$0xFFFFFFE0] =	vst v0  }
0x113: {  	v1 =	vld [tilespmem:s25+$0xFFFFFFE0];
	_ =	sdelay $0x4  }
0x114: {  	[tilespmem:s2+$0xFFFFFFE0] =	vst v1  }
0x115: {  	[tilespmem:s0+$0xFFFFFFF0] =	vst v0  }
0x116: {  	v1 =	vld [tilespmem:s25+$0xFFFFFFF0];
	_ =	sdelay $0x4  }
0x117: {  	[tilespmem:s2+$0xFFFFFFF0] =	vst v1  }
0x118: {  	[tilespmem:s0+$0x0] =	vst v0  }
0x119: {  	v1 =	vld [tilespmem:s25+$0x0]  }
.Ltmp22:
0x11a: {  	_ = 	snop;
	(pc) =	sbr.rel .LBB2_22-.Ltmp22, $2  }
0x11b: {  	_ =	sdelay $0x2  }
0x11c: {  	s14 =	sadd.s32 $0x80, s14;
	s0 =	sadd.s32 $0x80, s30;
	[tilespmem:s2+$0x0] =	vst v1  }
.LBB2_18:
0x11d: {  	s0 =	smov.u32 s24  }
.LBB2_22:
0x11e: {  	s2 =	sand.u32 $0x40, s15  }
0x11f: {  	p3 =	seq.s32 s2, $0x0  }
0x120: {  	[tilespmem:s0+$0x480] =	vst @!p3 v0  }
0x121: {  	v1 =	vld @!p3 [tilespmem:s14+$0x0];
	_ =	sdelay $0x3  }
0x122: {  	[tilespmem:s0+$0x490] =	vst @!p3 v0  }
0x123: {  	[tilespmem:s0+$0x4500] =	vst @!p3 v1  }
0x124: {  	v1 =	vld @!p3 [tilespmem:s14+$0x10];
	_ =	sdelay $0x3  }
0x125: {  	[tilespmem:s0+$0x4A0] =	vst @!p3 v0  }
0x126: {  	[tilespmem:s0+$0x4510] =	vst @!p3 v1  }
0x127: {  	v1 =	vld @!p3 [tilespmem:s14+$0x20];
	_ =	sdelay $0x3  }
0x128: {  	[tilespmem:s0+$0x4B0] =	vst @!p3 v0  }
0x129: {  	s30 =	sand.u32 $0x30, s15;
	[tilespmem:s0+$0x4520] =	vst @!p3 v1  }
0x12a: {  	p4 =	seq.s32 s30, $0x0;
	v1 =	vld @!p3 [tilespmem:s14+$0x30]  }
.Ltmp23:
0x12b: {  	_ = 	snop;
	(pc) =	sbr.rel @p4 .LBB2_25-.Ltmp23, $2  }
0x12c: {  	_ =	sdelay $0x2  }
0x12d: {  	[tilespmem:s0+$0x4530] =	vst @!p3 v1  }
0x12e: {  	s2 =	sadd.s32 @!p3 $0x40, s0  }
0x12f: {  	s2 =	smov.u32 @p3 s0  }
0x130: {  	s30 =	sshrl.u32 s31, $0x4;
	s0 =	sadd.s32 @!p3 $0x40, s14;
	s2 =	sshll.u32 s2, $0x2  }
0x131: {  	s0 =	smov.u32 @p3 s14;
	s13 =	sshra.s32 s2, $0x2;
	s2 =	sand.u32 $0x3, s30  }
0x132: {  	s0 =	sshll.u32 s0, $0x2;
	s25 =	sadd.s32 $0x480, s13;
	s2 =	ssub.s32 $0x0, s2  }
0x133: {  	s0 =	sshra.s32 s0, $0x2;
	[tilespmem:s25+$0x0] =	vst v0;
	s2 =	sadd.s32 $0x1, s2  }
0x134: {  	v1 =	vld [tilespmem:s0+$0x0];
	p3 =	seq.s32 s2, $0x0  }
.Ltmp24:
0x135: {  	_ = 	snop;
	(pc) =	sbr.rel @p3 .LBB2_25-.Ltmp24, $3  }
0x136: {  	_ =	sdelay $0x1  }
0x137: {  	s13 =	sadd.s32 $0x4500, s13  }
0x138: {  	s14 =	sadd.s32 $0x10, s25;
	[tilespmem:s13+$0x0] =	vst v1  }
.LBB2_24:
0x139: {  	[tilespmem:s14+$0x0] =	vst v0;
	s2 =	sadd.s32 $0x1, s2;
	s0 =	sadd.s32 $0x10, s0  }
0x13a: {  	v1 =	vld [tilespmem:s0+$0x0];
	p3 =	seq.s32 s2, $0x0  }
.Ltmp25:
0x13b: {  	(pc) =	sbr.rel @!p3 .LBB2_24-.Ltmp25, $3  }
0x13c: {  	_ =	sdelay $0x1  }
0x13d: {  	s13 =	sadd.s32 $0x10, s13  }
0x13e: {  	s14 =	sadd.s32 $0x10, s14;
	[tilespmem:s13+$0x0] =	vst v1  }
.Ltmp26:
0x13f: {  	_ = 	snop;
	(pc) =	sbr.rel .LBB2_25-.Ltmp26, $1  }
0x140: {  	_ =	sdelay $0x3  }
.LBB2_26:
.Ltmp27:
0x141: {  	(pc) =	sbr.rel @p2 .LBB2_29-.Ltmp27, $1  }
0x142: {  	_ =	sdelay $0x3  }
0x143: {  	s0 =	rddreg [dreg:$0x9]  }
0x144: {  	p3 =	sne.s32 s0, $0x1  }
.Ltmp28:
0x145: {  	_ = 	snop;
	(pc) =	sbr.rel @!p3 .LBB2_29-.Ltmp28, $4  }
0x146: {  	[hbm4b:s12+s5] =	stream.linear.scatter [tilespmem:s10], [sflag:$0x2], $0x800, $0x38;
	[tilespmem:$0x8580] =	vst v63  }
0x147: {  	s1 =	sadd.s32 $0x800, s10;
	s2 =	sadd.s32 $0x100, s12  }
0x148: {  	s8 =	smov.u32 s9;
	s13 =	smov.u32 s11;
	s0 =	sadd.s32 $0xFFFFFFFF, s0  }
0x149: {  	[hbm4b:s11+s5] =	stream.linear.scatter [tilespmem:s9], [sflag:$0x2], $0x800, $0x38;
	[tilespmem:$0x8580] =	vst v63  }
.LBB2_28:
0x14a: {  	[hbm4b:s2+s5] =	stream.linear.scatter [tilespmem:s1], [sflag:$0x2], $0x800, $0x38;
	[tilespmem:$0x8580] =	vst v63  }
0x14b: {  	p3 =	sne.s32 s0, $0x1  }
.Ltmp29:
0x14c: {  	s0 =	sadd.s32 $0xFFFFFFFF, s0;
	(pc) =	sbr.rel @p3 .LBB2_28-.Ltmp29, $4  }
0x14d: {  	s8 =	sadd.s32 $0x800, s8;
	s13 =	sadd.s32 $0x100, s13  }
0x14e: {  	[hbm4b:s13+s5] =	stream.linear.scatter [tilespmem:s8], [sflag:$0x2], $0x800, $0x38;
	[tilespmem:$0x8580] =	vst v63  }
0x14f: {  	_ = 	snop  }
0x150: {  	s1 =	sadd.s32 $0x800, s1;
	s2 =	sadd.s32 $0x100, s2  }
.LBB2_29:
.Ltmp30:
0x151: {  	(pc) =	sbr.rel @p0 .LBB2_32-.Ltmp30, $1  }
0x152: {  	_ =	sdelay $0x3  }
0x153: {  	s2 =	rddreg [dreg:$0xb]  }
0x154: {  	s31 =	rddreg [dreg:$0xa]  }
0x155: {  	s0 =	sshrl.u32 s2, $0x3;
	p3 =	sne.s32 s31, $0x1  }
.Ltmp31:
0x156: {  	s1 =	sadd.s32 s3, s0;
	(pc) =	sbr.rel @!p3 .LBB2_32-.Ltmp31, $4  }
0x157: {  	[hbm4b:s1+s5] =	stream.linear.scatter [tilespmem:s18], [sflag:$0x2], $0x100, $0x38;
	[tilespmem:$0x8580] =	vst v63  }
0x158: {  	s8 =	smov.u32 s17;
	s0 =	sadd.s32 s4, s0  }
0x159: {  	[hbm4b:s0+s5] =	stream.linear.scatter [tilespmem:s17], [sflag:$0x2], $0x100, $0x38;
	[tilespmem:$0x8580] =	vst v63  }
0x15a: {  	s1 =	sadd.s32 $0x100, s2;
	s2 =	smov.u32 s18;
	s0 =	sadd.s32 $0xFFFFFFFF, s31  }
.LBB2_31:
0x15b: {  	s13 =	sshrl.u32 s1, $0x3;
	p3 =	sne.s32 s0, $0x1;
	s0 =	sadd.s32 $0xFFFFFFFF, s0  }
.Ltmp32:
0x15c: {  	s2 =	sadd.s32 $0x100, s2;
	s14 =	sadd.s32 s3, s13;
	(pc) =	sbr.rel @p3 .LBB2_31-.Ltmp32, $4  }
0x15d: {  	[hbm4b:s14+s5] =	stream.linear.scatter [tilespmem:s2], [sflag:$0x2], $0x100, $0x38;
	[tilespmem:$0x8580] =	vst v63  }
0x15e: {  	s8 =	sadd.s32 $0x100, s8;
	s13 =	sadd.s32 s4, s13  }
0x15f: {  	[hbm4b:s13+s5] =	stream.linear.scatter [tilespmem:s8], [sflag:$0x2], $0x100, $0x38;
	[tilespmem:$0x8580] =	vst v63  }
0x160: {  	s1 =	sadd.s32 $0x100, s1  }
.Ltmp33:
0x161: {  	_ = 	snop;
	(pc) =	sbr.rel .LBB2_32-.Ltmp33, $1  }
0x162: {  	_ =	sdelay $0x3  }
.LBB2_33:
0x163: {  	_ =	sfence.sel $0x180000  }
0x164: {  	[bflag:$0x0] =	sbarrier.arrive $0xFFFF  }
0x165: {  	_ =	strace $0x90000047  }
0x166: {  	s0 =	stileid.u32;
	[bflag:$0x2] =	sbarrier.arrive $0xFFFF  }
0x167: {  	p0 =	sne.s32 s0, $0x0;
	s0 =	rddreg [dreg:$0x3]  }
0x168: {  	s0 =	sadd.s32 @!p0 $0x100000, s0  }
0x169: {  	[sflag:s0] =	ssyncadd.tile.s32 @!p0 $0x1;
	_ =	shalt  }
.Lfunc_end2:
_tile_overlayer_lowered:
.L_overlay_start_2:
0x16a: {  	(tag) =	ssettag $0x2  }
0x16b: {  	s0 =	rddreg [dreg:$0x0];
	s2 =	stileid.u32  }
0x16c: {  	s1 =	rddreg [dreg:$0x1];
	p0 =	sne.s32 s2, $0x0  }
0x16d: {  	s3 =	rddreg [dreg:$0x2];
	[bflag:$0x3] =	sbarrier.arrive $0xFFFF;
	s2 =	simm.s32 @!p0 $0x1C03  }
0x16e: {  	[timem:s3], [sflag:s2] =	dma.local @!p0 [hbm:s0], s1  }
0x16f: {  	s0 =	simm.s32 @!p0 $0x3  }
0x170: {  	_ =	swait.ge @!p0 [sflag:s0], s1  }
0x171: {  	s1 =	ssub.s32 @!p0 $0x0, s1;
	[sflag:s0] =	ssyncset.done @!p0 $0x0  }
0x172: {  	[sflag:s0] =	ssyncadd.s32 @!p0 s1  }
0x173: {  	[bflag:$0x3] =	sbarrier.arrive $0xFFFF  }
0x174: {  	_ =	shalt  }

</sc_bundles>
